<compile_context>
chip_gen: v7x
topology: tpu7x:2x2x1
jax: 0.10.2.dev20260603
libtpu: 0.0.44.dev20260713+nightly
codegen_flags: <defaults>
</compile_context>

<pallas_src>
import jax
import jax.numpy as jnp
from jax import lax
from jax.experimental import pallas as pl
from jax.experimental.pallas import tpu as pltpu
from jax.experimental.pallas import tpu_sc as plsc

_NUM_CORES = 2
_NUM_SUBCORES = 16
_NUM_WORKERS = _NUM_CORES * _NUM_SUBCORES
_CHUNK = 200
_K = 2
_WPAD = 128


def kernel(token_ids, weight):
    batch, seq = token_ids.shape
    num_indices = batch * seq
    dim = weight.shape[1]
    per_worker = num_indices // _NUM_WORKERS
    n_chunks = per_worker // _CHUNK
    n_groups = n_chunks // _K
    idx_flat = token_ids.reshape(num_indices).astype(jnp.int32) * 2
    w128 = jnp.pad(weight, ((0, 0), (0, _WPAD - dim)))
    w2 = w128.reshape(2 * weight.shape[0], dim)

    mesh = plsc.VectorSubcoreMesh(core_axis_name="c", subcore_axis_name="s")

    @pl.kernel(
        out_type=jax.ShapeDtypeStruct((batch, 56, _WPAD), weight.dtype),
        mesh=mesh,
        compiler_params=pltpu.CompilerParams(use_tc_tiling_on_sc=False),
        scratch_types=[
            pltpu.VMEM((per_worker,), jnp.int32),
            pltpu.VMEM((2, _K, _CHUNK, dim), jnp.float32),
            pltpu.SemaphoreType.DMA,
            pltpu.SemaphoreType.DMA,
            pltpu.SemaphoreType.DMA,
            pltpu.SemaphoreType.DMA,
        ],
    )
    def gather_kernel(w_hbm, i_hbm, o_hbm, idx_v, rows, gs_a, ss_a, gs_b, ss_b):
        wid = lax.axis_index("s") * _NUM_CORES + lax.axis_index("c")
        base = wid * per_worker
        pltpu.sync_copy(i_hbm.at[pl.ds(base, per_worker)], idx_v)

        def issue_gathers(set_i, group, gsem):
            for b in range(_K):
                off = (group * _K + b) * _CHUNK
                pltpu.async_copy(
                    w_hbm.at[idx_v.at[pl.ds(off, _CHUNK)]], rows.at[set_i, b], gsem
                )

        def drain_gathers(set_i, gsem):
            for b in range(_K):
                pltpu.make_async_copy(
                    w_hbm.at[pl.ds(0, _CHUNK)], rows.at[set_i, b], gsem
                ).wait()

        def issue_stores(set_i, group, ssem):
            for b in range(_K):
                off = (group * _K + b) * _CHUNK
                for j in range(_CHUNK // seq):
                    pltpu.async_copy(
                        rows.at[set_i, b, pl.ds(j * seq, seq), :],
                        o_hbm.at[(base + off) // seq + j, pl.ds(0, seq), pl.ds(0, dim)],
                        ssem,
                    )

        def drain_stores(set_i, group, ssem):
            for b in range(_K):
                off = (group * _K + b) * _CHUNK
                for j in range(_CHUNK // seq):
                    pltpu.make_async_copy(
                        rows.at[set_i, b, pl.ds(j * seq, seq), :],
                        o_hbm.at[(base + off) // seq + j, pl.ds(0, seq), pl.ds(0, dim)],
                        ssem,
                    ).wait()

        issue_gathers(0, 0, gs_a)
        issue_gathers(1, 1, gs_b)

        @pl.loop(0, n_groups, step=2)
        def _(g):
            drain_gathers(0, gs_a)
            issue_stores(0, g, ss_a)
            drain_stores(0, g, ss_a)

            @pl.when(g + 2 < n_groups)
            def _():
                issue_gathers(0, g + 2, gs_a)

            drain_gathers(1, gs_b)
            issue_stores(1, g + 1, ss_b)
            drain_stores(1, g + 1, ss_b)

            @pl.when(g + 3 < n_groups)
            def _():
                issue_gathers(1, g + 3, gs_b)

    out = gather_kernel(w2, idx_flat)
    return out[:, :seq, :dim]

# --- scband reference (transcript-rebuilt; emitter-appended) ---
"""Pipeline reference for scband-embedding-2937757630813 (READ-ONLY COPY).

The authoritative reference and input builder live on the scoring server;
editing this copy changes nothing except your own understanding.
"""

import jax, jax.numpy as jnp
import numpy as np

NUM_EMBEDDINGS = 1000000
EMBEDDING_DIM = 64

def setup_inputs(seed: int = 0) -> dict:
    key = jax.random.key(seed)
    k_idx, k_w = jax.random.split(key)
    token_ids = jax.random.randint(k_idx, (16384, 50), 0, NUM_EMBEDDINGS, dtype=jnp.int64 if jax.config.jax_enable_x64 else jnp.int32)
    # trunc_normal init: normal clipped to [-3, 3], std=1.0
    weight = jnp.clip(jax.random.normal(k_w, (NUM_EMBEDDINGS, EMBEDDING_DIM), dtype=jnp.float32), -3.0, 3.0)
    return {"token_ids": token_ids, "weight": weight}

def reference(token_ids, weight):
    # Faithful translation of: return self.weight[token_ids]
    return jnp.take(weight, token_ids, axis=0)

if __name__ == "__main__":
    import jax
    _d = setup_inputs()
    print(jax.jit(kernel)(*tuple(_d.values())))

</pallas_src>

<mosaic_0001>
#map = affine_map<(d0, d1) -> (0, 0)>
#map1 = affine_map<(d0, d1) -> (0)>
#map2 = affine_map<(d0, d1) -> (0, 0, 0)>
module attributes {stable_mosaic.version = 14 : i64} {
  func.func @gather_kernel(%arg0: i32, %arg1: i32, %arg2: memref<2000000x64xf32, #tpu.memory_space<hbm>>, %arg3: memref<819200xi32, #tpu.memory_space<hbm>>, %arg4: memref<16384x56x128xf32, #tpu.memory_space<hbm>>, %arg5: memref<25600xi32, #tpu.memory_space<vmem>>, %arg6: memref<2x2x200x64xf32, #tpu.memory_space<vmem>>, %arg7: memref<!tpu.dma_semaphore, #tpu.memory_space<semaphore_mem>>, %arg8: memref<!tpu.dma_semaphore, #tpu.memory_space<semaphore_mem>>, %arg9: memref<!tpu.dma_semaphore, #tpu.memory_space<semaphore_mem>>, %arg10: memref<!tpu.dma_semaphore, #tpu.memory_space<semaphore_mem>>) attributes {dimension_semantics = [#tpu.dimension_semantics<core_parallel>, #tpu.dimension_semantics<subcore_parallel>], iteration_bounds = array<i64: 2, 16>, scalar_prefetch = 0 : i64, scratch_operands = 6 : i64, tpu.core_type = #tpu.core_type<sc_vector_subcore>, window_params = [{transform_indices = #map}, {transform_indices = #map1}, {transform_indices = #map2}]} {
    %mul3A = arith.constant 2 : i32
    %mul3A_0 = arith.muli %arg1, %mul3A : i32
    %add3A = arith.addi %mul3A_0, %arg0 : i32
    %mul3A_1 = arith.constant 25600 : i32
    %mul3A_2 = arith.muli %add3A, %mul3A_1 : i32
    "tpu.region"() ({
      %run_scoped3A = tpu.sem_alloc : memref<!tpu.dma_semaphore, #tpu.memory_space<semaphore_mem>>
      %dma_start3A_50 = tpu.memref_slice %arg3[%mul3A_2] : memref<819200xi32, #tpu.memory_space<hbm>> -> memref<25600xi32, #tpu.memory_space<hbm>>
      %dma_start3A_51 = tpu.memref_slice %arg3[%mul3A_2] : memref<819200xi32, #tpu.memory_space<hbm>> -> memref<25600xi32, #tpu.memory_space<hbm>>
      tpu.enqueue_dma source(%dma_start3A_51 : memref<25600xi32, #tpu.memory_space<hbm>>) target(%arg5 : memref<25600xi32, #tpu.memory_space<vmem>>) target_semaphore(%run_scoped3A : memref<!tpu.dma_semaphore, #tpu.memory_space<semaphore_mem>>)
      %dma_wait3A = tpu.memref_slice %arg3[%mul3A_2] : memref<819200xi32, #tpu.memory_space<hbm>> -> memref<25600xi32, #tpu.memory_space<hbm>>
      %dma_wait3A_52 = tpu.memref_slice %arg3[%mul3A_2] : memref<819200xi32, #tpu.memory_space<hbm>> -> memref<25600xi32, #tpu.memory_space<hbm>>
      tpu.wait_dma2 semaphore(%run_scoped3A : memref<!tpu.dma_semaphore, #tpu.memory_space<semaphore_mem>>) src(%dma_wait3A_52 : memref<25600xi32, #tpu.memory_space<hbm>>) dst(%arg5 : memref<25600xi32, #tpu.memory_space<vmem>>)
      tpu.yield
    }) : () -> ()
    %dma_start3A = arith.constant 0 : i32
    %dma_start3A_3 = arith.constant 0 : i32
    %dma_start3A_4 = arith.constant 0 : i32
    %dma_start3A_5 = arith.constant 0 : i32
    %dma_start3A_6 = tpu.memref_slice %arg6[%dma_start3A, %dma_start3A_3, %dma_start3A_4, %dma_start3A_5] : memref<2x2x200x64xf32, #tpu.memory_space<vmem>> -> memref<1x1x200x64xf32, #tpu.memory_space<vmem>>
    %dma_start3A_7 = tpu.memref_squeeze %dma_start3A_6 : memref<1x1x200x64xf32, #tpu.memory_space<vmem>> -> memref<200x64xf32, #tpu.memory_space<vmem>>
    %dma_start3A_8 = arith.constant 0 : i32
    %dma_start3A_9 = tpu.memref_slice %arg5[%dma_start3A_8] : memref<25600xi32, #tpu.memory_space<vmem>> -> memref<200xi32, #tpu.memory_space<vmem>>
    %dma_start3A_10 = arith.constant 0 : i32
    %dma_start3A_11 = arith.constant 0 : i32
    %dma_start3A_12 = tpu.memref_slice %arg2[%dma_start3A_10, %dma_start3A_11] : memref<2000000x64xf32, #tpu.memory_space<hbm>> -> memref<2000000x64xf32, #tpu.memory_space<hbm>>
    tpu.enqueue_indirect_dma source(%dma_start3A_12 : memref<2000000x64xf32, #tpu.memory_space<hbm>>) target(%dma_start3A_7 : memref<200x64xf32, #tpu.memory_space<vmem>>) offsets(%dma_start3A_9 : memref<200xi32, #tpu.memory_space<vmem>>) semaphore(%arg7 : memref<!tpu.dma_semaphore, #tpu.memory_space<semaphore_mem>>)
    %dma_start3A_13 = arith.constant 0 : i32
    %dma_start3A_14 = arith.constant 1 : i32
    %dma_start3A_15 = arith.constant 0 : i32
    %dma_start3A_16 = arith.constant 0 : i32
    %dma_start3A_17 = tpu.memref_slice %arg6[%dma_start3A_13, %dma_start3A_14, %dma_start3A_15, %dma_start3A_16] : memref<2x2x200x64xf32, #tpu.memory_space<vmem>> -> memref<1x1x200x64xf32, #tpu.memory_space<vmem>>
    %dma_start3A_18 = tpu.memref_squeeze %dma_start3A_17 : memref<1x1x200x64xf32, #tpu.memory_space<vmem>> -> memref<200x64xf32, #tpu.memory_space<vmem>>
    %dma_start3A_19 = arith.constant 200 : i32
    %dma_start3A_20 = tpu.memref_slice %arg5[%dma_start3A_19] : memref<25600xi32, #tpu.memory_space<vmem>> -> memref<200xi32, #tpu.memory_space<vmem>>
    %dma_start3A_21 = arith.constant 0 : i32
    %dma_start3A_22 = arith.constant 0 : i32
    %dma_start3A_23 = tpu.memref_slice %arg2[%dma_start3A_21, %dma_start3A_22] : memref<2000000x64xf32, #tpu.memory_space<hbm>> -> memref<2000000x64xf32, #tpu.memory_space<hbm>>
    tpu.enqueue_indirect_dma source(%dma_start3A_23 : memref<2000000x64xf32, #tpu.memory_space<hbm>>) target(%dma_start3A_18 : memref<200x64xf32, #tpu.memory_space<vmem>>) offsets(%dma_start3A_20 : memref<200xi32, #tpu.memory_space<vmem>>) semaphore(%arg7 : memref<!tpu.dma_semaphore, #tpu.memory_space<semaphore_mem>>)
    %dma_start3A_24 = arith.constant 1 : i32
    %dma_start3A_25 = arith.constant 0 : i32
    %dma_start3A_26 = arith.constant 0 : i32
    %dma_start3A_27 = arith.constant 0 : i32
    %dma_start3A_28 = tpu.memref_slice %arg6[%dma_start3A_24, %dma_start3A_25, %dma_start3A_26, %dma_start3A_27] : memref<2x2x200x64xf32, #tpu.memory_space<vmem>> -> memref<1x1x200x64xf32, #tpu.memory_space<vmem>>
    %dma_start3A_29 = tpu.memref_squeeze %dma_start3A_28 : memref<1x1x200x64xf32, #tpu.memory_space<vmem>> -> memref<200x64xf32, #tpu.memory_space<vmem>>
    %dma_start3A_30 = arith.constant 400 : i32
    %dma_start3A_31 = tpu.memref_slice %arg5[%dma_start3A_30] : memref<25600xi32, #tpu.memory_space<vmem>> -> memref<200xi32, #tpu.memory_space<vmem>>
    %dma_start3A_32 = arith.constant 0 : i32
    %dma_start3A_33 = arith.constant 0 : i32
    %dma_start3A_34 = tpu.memref_slice %arg2[%dma_start3A_32, %dma_start3A_33] : memref<2000000x64xf32, #tpu.memory_space<hbm>> -> memref<2000000x64xf32, #tpu.memory_space<hbm>>
    tpu.enqueue_indirect_dma source(%dma_start3A_34 : memref<2000000x64xf32, #tpu.memory_space<hbm>>) target(%dma_start3A_29 : memref<200x64xf32, #tpu.memory_space<vmem>>) offsets(%dma_start3A_31 : memref<200xi32, #tpu.memory_space<vmem>>) semaphore(%arg9 : memref<!tpu.dma_semaphore, #tpu.memory_space<semaphore_mem>>)
    %dma_start3A_35 = arith.constant 1 : i32
    %dma_start3A_36 = arith.constant 1 : i32
    %dma_start3A_37 = arith.constant 0 : i32
    %dma_start3A_38 = arith.constant 0 : i32
    %dma_start3A_39 = tpu.memref_slice %arg6[%dma_start3A_35, %dma_start3A_36, %dma_start3A_37, %dma_start3A_38] : memref<2x2x200x64xf32, #tpu.memory_space<vmem>> -> memref<1x1x200x64xf32, #tpu.memory_space<vmem>>
    %dma_start3A_40 = tpu.memref_squeeze %dma_start3A_39 : memref<1x1x200x64xf32, #tpu.memory_space<vmem>> -> memref<200x64xf32, #tpu.memory_space<vmem>>
    %dma_start3A_41 = arith.constant 600 : i32
    %dma_start3A_42 = tpu.memref_slice %arg5[%dma_start3A_41] : memref<25600xi32, #tpu.memory_space<vmem>> -> memref<200xi32, #tpu.memory_space<vmem>>
    %dma_start3A_43 = arith.constant 0 : i32
    %dma_start3A_44 = arith.constant 0 : i32
    %dma_start3A_45 = tpu.memref_slice %arg2[%dma_start3A_43, %dma_start3A_44] : memref<2000000x64xf32, #tpu.memory_space<hbm>> -> memref<2000000x64xf32, #tpu.memory_space<hbm>>
    tpu.enqueue_indirect_dma source(%dma_start3A_45 : memref<2000000x64xf32, #tpu.memory_space<hbm>>) target(%dma_start3A_40 : memref<200x64xf32, #tpu.memory_space<vmem>>) offsets(%dma_start3A_42 : memref<200xi32, #tpu.memory_space<vmem>>) semaphore(%arg9 : memref<!tpu.dma_semaphore, #tpu.memory_space<semaphore_mem>>)
    %scan3A = arith.constant 0 : i32
    %scan3A_46 = arith.constant 32 : i32
    %scan3A_47 = arith.addi %scan3A, %scan3A_46 : i32
    %scan3A_48 = arith.constant 1 : i32
    scf.for %scan3A_50 = %scan3A to %scan3A_47 step %scan3A_48  : i32 {
      %mul3A_51 = arith.constant 2 : i32
      %mul3A_52 = arith.muli %scan3A_50, %mul3A_51 : i32
      %add3A_53 = arith.constant 0 : i32
      %add3A_54 = arith.addi %add3A_53, %mul3A_52 : i32
      %dma_wait3A = arith.constant 0 : i32
      %dma_wait3A_55 = arith.constant 0 : i32
      %dma_wait3A_56 = arith.constant 0 : i32
      %dma_wait3A_57 = arith.constant 0 : i32
      %dma_wait3A_58 = tpu.memref_slice %arg6[%dma_wait3A, %dma_wait3A_55, %dma_wait3A_56, %dma_wait3A_57] : memref<2x2x200x64xf32, #tpu.memory_space<vmem>> -> memref<1x1x200x64xf32, #tpu.memory_space<vmem>>
      %dma_wait3A_59 = tpu.memref_squeeze %dma_wait3A_58 : memref<1x1x200x64xf32, #tpu.memory_space<vmem>> -> memref<200x64xf32, #tpu.memory_space<vmem>>
      %dma_wait3A_60 = arith.constant 0 : i32
      %dma_wait3A_61 = arith.constant 0 : i32
      %dma_wait3A_62 = tpu.memref_slice %arg2[%dma_wait3A_60, %dma_wait3A_61] : memref<2000000x64xf32, #tpu.memory_space<hbm>> -> memref<200x64xf32, #tpu.memory_space<hbm>>
      %dma_wait3A_63 = arith.constant 0 : i32
      %dma_wait3A_64 = arith.constant 0 : i32
      %dma_wait3A_65 = tpu.memref_slice %arg6[%dma_wait3A, %dma_wait3A_55, %dma_wait3A_63, %dma_wait3A_64] : memref<2x2x200x64xf32, #tpu.memory_space<vmem>> -> memref<1x1x200x64xf32, #tpu.memory_space<vmem>>
      %dma_wait3A_66 = tpu.memref_squeeze %dma_wait3A_65 : memref<1x1x200x64xf32, #tpu.memory_space<vmem>> -> memref<200x64xf32, #tpu.memory_space<vmem>>
      %dma_wait3A_67 = arith.constant 0 : i32
      %dma_wait3A_68 = arith.constant 0 : i32
      %dma_wait3A_69 = tpu.memref_slice %arg2[%dma_wait3A_67, %dma_wait3A_68] : memref<2000000x64xf32, #tpu.memory_space<hbm>> -> memref<200x64xf32, #tpu.memory_space<hbm>>
      tpu.wait_dma2 semaphore(%arg7 : memref<!tpu.dma_semaphore, #tpu.memory_space<semaphore_mem>>) src(%dma_wait3A_69 : memref<200x64xf32, #tpu.memory_space<hbm>>) dst(%dma_wait3A_66 : memref<200x64xf32, #tpu.memory_space<vmem>>)
      %dma_wait3A_70 = arith.constant 0 : i32
      %dma_wait3A_71 = arith.constant 1 : i32
      %dma_wait3A_72 = arith.constant 0 : i32
      %dma_wait3A_73 = arith.constant 0 : i32
      %dma_wait3A_74 = tpu.memref_slice %arg6[%dma_wait3A_70, %dma_wait3A_71, %dma_wait3A_72, %dma_wait3A_73] : memref<2x2x200x64xf32, #tpu.memory_space<vmem>> -> memref<1x1x200x64xf32, #tpu.memory_space<vmem>>
      %dma_wait3A_75 = tpu.memref_squeeze %dma_wait3A_74 : memref<1x1x200x64xf32, #tpu.memory_space<vmem>> -> memref<200x64xf32, #tpu.memory_space<vmem>>
      %dma_wait3A_76 = arith.constant 0 : i32
      %dma_wait3A_77 = arith.constant 0 : i32
      %dma_wait3A_78 = tpu.memref_slice %arg2[%dma_wait3A_76, %dma_wait3A_77] : memref<2000000x64xf32, #tpu.memory_space<hbm>> -> memref<200x64xf32, #tpu.memory_space<hbm>>
      %dma_wait3A_79 = arith.constant 0 : i32
      %dma_wait3A_80 = arith.constant 0 : i32
      %dma_wait3A_81 = tpu.memref_slice %arg6[%dma_wait3A_70, %dma_wait3A_71, %dma_wait3A_79, %dma_wait3A_80] : memref<2x2x200x64xf32, #tpu.memory_space<vmem>> -> memref<1x1x200x64xf32, #tpu.memory_space<vmem>>
      %dma_wait3A_82 = tpu.memref_squeeze %dma_wait3A_81 : memref<1x1x200x64xf32, #tpu.memory_space<vmem>> -> memref<200x64xf32, #tpu.memory_space<vmem>>
      %dma_wait3A_83 = arith.constant 0 : i32
      %dma_wait3A_84 = arith.constant 0 : i32
      %dma_wait3A_85 = tpu.memref_slice %arg2[%dma_wait3A_83, %dma_wait3A_84] : memref<2000000x64xf32, #tpu.memory_space<hbm>> -> memref<200x64xf32, #tpu.memory_space<hbm>>
      tpu.wait_dma2 semaphore(%arg7 : memref<!tpu.dma_semaphore, #tpu.memory_space<semaphore_mem>>) src(%dma_wait3A_85 : memref<200x64xf32, #tpu.memory_space<hbm>>) dst(%dma_wait3A_82 : memref<200x64xf32, #tpu.memory_space<vmem>>)
      %mul3A_86 = arith.constant 2 : i32
      %mul3A_87 = arith.muli %add3A_54, %mul3A_86 : i32
      %add3A_88 = arith.constant 0 : i32
      %add3A_89 = arith.addi %mul3A_87, %add3A_88 : i32
      %mul3A_90 = arith.constant 200 : i32
      %mul3A_91 = arith.muli %add3A_89, %mul3A_90 : i32
      %add3A_92 = arith.addi %mul3A_2, %mul3A_91 : i32
      %jit3A = arith.constant 50 : i32
      %div3A = arith.divsi %add3A_92, %jit3A : i32
      %sign3A = arith.constant 0 : i32
      %sign3A_93 = arith.cmpi sgt, %add3A_92, %sign3A : i32
      %sign3A_94 = arith.extui %sign3A_93 : i1 to i32
      %sign3A_95 = arith.constant 0 : i32
      %sign3A_96 = arith.cmpi slt, %add3A_92, %sign3A_95 : i32
      %sign3A_97 = arith.extui %sign3A_96 : i1 to i32
      %sign3A_98 = arith.subi %sign3A_94, %sign3A_97 : i32
      %sign3A_99 = arith.constant 0 : i32
      %sign3A_100 = arith.cmpi sgt, %jit3A, %sign3A_99 : i32
      %sign3A_101 = arith.extui %sign3A_100 : i1 to i32
      %sign3A_102 = arith.constant 0 : i32
      %sign3A_103 = arith.cmpi slt, %jit3A, %sign3A_102 : i32
      %sign3A_104 = arith.extui %sign3A_103 : i1 to i32
      %sign3A_105 = arith.subi %sign3A_101, %sign3A_104 : i32
      %ne3A = arith.cmpi ne, %sign3A_98, %sign3A_105 : i32
      %rem3A = arith.remsi %add3A_92, %jit3A : i32
      %ne3A_106 = arith.constant 0 : i32
      %ne3A_107 = arith.cmpi ne, %rem3A, %ne3A_106 : i32
      %and3A = arith.andi %ne3A, %ne3A_107 : i1
      %sub3A = arith.constant 1 : i32
      %sub3A_108 = arith.subi %div3A, %sub3A : i32
      %select_n3A = arith.select %and3A, %sub3A_108, %div3A : i32
      %add3A_109 = arith.constant 0 : i32
      %add3A_110 = arith.addi %select_n3A, %add3A_109 : i32
      %dma_start3A_111 = arith.constant 0 : i32
      %dma_start3A_112 = arith.constant 0 : i32
      %dma_start3A_113 = arith.constant 0 : i32
      %dma_start3A_114 = arith.constant 0 : i32
      %dma_start3A_115 = tpu.memref_slice %arg6[%dma_start3A_111, %dma_start3A_112, %dma_start3A_113, %dma_start3A_114] : memref<2x2x200x64xf32, #tpu.memory_space<vmem>> -> memref<1x1x50x64xf32, #tpu.memory_space<vmem>>
      %dma_start3A_116 = tpu.memref_squeeze %dma_start3A_115 : memref<1x1x50x64xf32, #tpu.memory_space<vmem>> -> memref<50x64xf32, #tpu.memory_space<vmem>>
      %dma_start3A_117 = arith.constant 0 : i32
      %dma_start3A_118 = arith.constant 0 : i32
      %dma_start3A_119 = tpu.memref_slice %arg4[%add3A_110, %dma_start3A_117, %dma_start3A_118] : memref<16384x56x128xf32, #tpu.memory_space<hbm>> -> memref<1x50x64xf32, #tpu.memory_space<hbm>>
      %dma_start3A_120 = tpu.memref_squeeze %dma_start3A_119 : memref<1x50x64xf32, #tpu.memory_space<hbm>> -> memref<50x64xf32, #tpu.memory_space<hbm>>
      %dma_start3A_121 = arith.constant 0 : i32
      %dma_start3A_122 = arith.constant 0 : i32
      %dma_start3A_123 = tpu.memref_slice %arg4[%add3A_110, %dma_start3A_121, %dma_start3A_122] : memref<16384x56x128xf32, #tpu.memory_space<hbm>> -> memref<1x50x64xf32, #tpu.memory_space<hbm>>
      %dma_start3A_124 = tpu.memref_squeeze %dma_start3A_123 : memref<1x50x64xf32, #tpu.memory_space<hbm>> -> memref<50x64xf32, #tpu.memory_space<hbm>>
      %dma_start3A_125 = arith.constant 0 : i32
      %dma_start3A_126 = arith.constant 0 : i32
      %dma_start3A_127 = tpu.memref_slice %arg6[%dma_start3A_111, %dma_start3A_112, %dma_start3A_125, %dma_start3A_126] : memref<2x2x200x64xf32, #tpu.memory_space<vmem>> -> memref<1x1x50x64xf32, #tpu.memory_space<vmem>>
      %dma_start3A_128 = tpu.memref_squeeze %dma_start3A_127 : memref<1x1x50x64xf32, #tpu.memory_space<vmem>> -> memref<50x64xf32, #tpu.memory_space<vmem>>
      tpu.enqueue_dma source(%dma_start3A_128 : memref<50x64xf32, #tpu.memory_space<vmem>>) target(%dma_start3A_124 : memref<50x64xf32, #tpu.memory_space<hbm>>) target_semaphore(%arg8 : memref<!tpu.dma_semaphore, #tpu.memory_space<semaphore_mem>>)
      %add3A_129 = arith.addi %mul3A_2, %mul3A_91 : i32
      %jit3A_130 = arith.constant 50 : i32
      %div3A_131 = arith.divsi %add3A_129, %jit3A_130 : i32
      %sign3A_132 = arith.constant 0 : i32
      %sign3A_133 = arith.cmpi sgt, %add3A_129, %sign3A_132 : i32
      %sign3A_134 = arith.extui %sign3A_133 : i1 to i32
      %sign3A_135 = arith.constant 0 : i32
      %sign3A_136 = arith.cmpi slt, %add3A_129, %sign3A_135 : i32
      %sign3A_137 = arith.extui %sign3A_136 : i1 to i32
      %sign3A_138 = arith.subi %sign3A_134, %sign3A_137 : i32
      %sign3A_139 = arith.constant 0 : i32
      %sign3A_140 = arith.cmpi sgt, %jit3A_130, %sign3A_139 : i32
      %sign3A_141 = arith.extui %sign3A_140 : i1 to i32
      %sign3A_142 = arith.constant 0 : i32
      %sign3A_143 = arith.cmpi slt, %jit3A_130, %sign3A_142 : i32
      %sign3A_144 = arith.extui %sign3A_143 : i1 to i32
      %sign3A_145 = arith.subi %sign3A_141, %sign3A_144 : i32
      %ne3A_146 = arith.cmpi ne, %sign3A_138, %sign3A_145 : i32
      %rem3A_147 = arith.remsi %add3A_129, %jit3A_130 : i32
      %ne3A_148 = arith.constant 0 : i32
      %ne3A_149 = arith.cmpi ne, %rem3A_147, %ne3A_148 : i32
      %and3A_150 = arith.andi %ne3A_146, %ne3A_149 : i1
      %sub3A_151 = arith.constant 1 : i32
      %sub3A_152 = arith.subi %div3A_131, %sub3A_151 : i32
      %select_n3A_153 = arith.select %and3A_150, %sub3A_152, %div3A_131 : i32
      %add3A_154 = arith.constant 1 : i32
      %add3A_155 = arith.addi %select_n3A_153, %add3A_154 : i32
      %dma_start3A_156 = arith.constant 0 : i32
      %dma_start3A_157 = arith.constant 0 : i32
      %dma_start3A_158 = arith.constant 50 : i32
      %dma_start3A_159 = arith.constant 0 : i32
      %dma_start3A_160 = tpu.memref_slice %arg6[%dma_start3A_156, %dma_start3A_157, %dma_start3A_158, %dma_start3A_159] : memref<2x2x200x64xf32, #tpu.memory_space<vmem>> -> memref<1x1x50x64xf32, #tpu.memory_space<vmem>>
      %dma_start3A_161 = tpu.memref_squeeze %dma_start3A_160 : memref<1x1x50x64xf32, #tpu.memory_space<vmem>> -> memref<50x64xf32, #tpu.memory_space<vmem>>
      %dma_start3A_162 = arith.constant 0 : i32
      %dma_start3A_163 = arith.constant 0 : i32
      %dma_start3A_164 = tpu.memref_slice %arg4[%add3A_155, %dma_start3A_162, %dma_start3A_163] : memref<16384x56x128xf32, #tpu.memory_space<hbm>> -> memref<1x50x64xf32, #tpu.memory_space<hbm>>
      %dma_start3A_165 = tpu.memref_squeeze %dma_start3A_164 : memref<1x50x64xf32, #tpu.memory_space<hbm>> -> memref<50x64xf32, #tpu.memory_space<hbm>>
      %dma_start3A_166 = arith.constant 0 : i32
      %dma_start3A_167 = arith.constant 0 : i32
      %dma_start3A_168 = tpu.memref_slice %arg4[%add3A_155, %dma_start3A_166, %dma_start3A_167] : memref<16384x56x128xf32, #tpu.memory_space<hbm>> -> memref<1x50x64xf32, #tpu.memory_space<hbm>>
      %dma_start3A_169 = tpu.memref_squeeze %dma_start3A_168 : memref<1x50x64xf32, #tpu.memory_space<hbm>> -> memref<50x64xf32, #tpu.memory_space<hbm>>
      %dma_start3A_170 = arith.constant 50 : i32
      %dma_start3A_171 = arith.constant 0 : i32
      %dma_start3A_172 = tpu.memref_slice %arg6[%dma_start3A_156, %dma_start3A_157, %dma_start3A_170, %dma_start3A_171] : memref<2x2x200x64xf32, #tpu.memory_space<vmem>> -> memref<1x1x50x64xf32, #tpu.memory_space<vmem>>
      %dma_start3A_173 = tpu.memref_squeeze %dma_start3A_172 : memref<1x1x50x64xf32, #tpu.memory_space<vmem>> -> memref<50x64xf32, #tpu.memory_space<vmem>>
      tpu.enqueue_dma source(%dma_start3A_173 : memref<50x64xf32, #tpu.memory_space<vmem>>) target(%dma_start3A_169 : memref<50x64xf32, #tpu.memory_space<hbm>>) target_semaphore(%arg8 : memref<!tpu.dma_semaphore, #tpu.memory_space<semaphore_mem>>)
      %add3A_174 = arith.addi %mul3A_2, %mul3A_91 : i32
      %jit3A_175 = arith.constant 50 : i32
      %div3A_176 = arith.divsi %add3A_174, %jit3A_175 : i32
      %sign3A_177 = arith.constant 0 : i32
      %sign3A_178 = arith.cmpi sgt, %add3A_174, %sign3A_177 : i32
      %sign3A_179 = arith.extui %sign3A_178 : i1 to i32
      %sign3A_180 = arith.constant 0 : i32
      %sign3A_181 = arith.cmpi slt, %add3A_174, %sign3A_180 : i32
      %sign3A_182 = arith.extui %sign3A_181 : i1 to i32
      %sign3A_183 = arith.subi %sign3A_179, %sign3A_182 : i32
      %sign3A_184 = arith.constant 0 : i32
      %sign3A_185 = arith.cmpi sgt, %jit3A_175, %sign3A_184 : i32
      %sign3A_186 = arith.extui %sign3A_185 : i1 to i32
      %sign3A_187 = arith.constant 0 : i32
      %sign3A_188 = arith.cmpi slt, %jit3A_175, %sign3A_187 : i32
      %sign3A_189 = arith.extui %sign3A_188 : i1 to i32
      %sign3A_190 = arith.subi %sign3A_186, %sign3A_189 : i32
      %ne3A_191 = arith.cmpi ne, %sign3A_183, %sign3A_190 : i32
      %rem3A_192 = arith.remsi %add3A_174, %jit3A_175 : i32
      %ne3A_193 = arith.constant 0 : i32
      %ne3A_194 = arith.cmpi ne, %rem3A_192, %ne3A_193 : i32
      %and3A_195 = arith.andi %ne3A_191, %ne3A_194 : i1
      %sub3A_196 = arith.constant 1 : i32
      %sub3A_197 = arith.subi %div3A_176, %sub3A_196 : i32
      %select_n3A_198 = arith.select %and3A_195, %sub3A_197, %div3A_176 : i32
      %add3A_199 = arith.constant 2 : i32
      %add3A_200 = arith.addi %select_n3A_198, %add3A_199 : i32
      %dma_start3A_201 = arith.constant 0 : i32
      %dma_start3A_202 = arith.constant 0 : i32
      %dma_start3A_203 = arith.constant 100 : i32
      %dma_start3A_204 = arith.constant 0 : i32
      %dma_start3A_205 = tpu.memref_slice %arg6[%dma_start3A_201, %dma_start3A_202, %dma_start3A_203, %dma_start3A_204] : memref<2x2x200x64xf32, #tpu.memory_space<vmem>> -> memref<1x1x50x64xf32, #tpu.memory_space<vmem>>
      %dma_start3A_206 = tpu.memref_squeeze %dma_start3A_205 : memref<1x1x50x64xf32, #tpu.memory_space<vmem>> -> memref<50x64xf32, #tpu.memory_space<vmem>>
      %dma_start3A_207 = arith.constant 0 : i32
      %dma_start3A_208 = arith.constant 0 : i32
      %dma_start3A_209 = tpu.memref_slice %arg4[%add3A_200, %dma_start3A_207, %dma_start3A_208] : memref<16384x56x128xf32, #tpu.memory_space<hbm>> -> memref<1x50x64xf32, #tpu.memory_space<hbm>>
      %dma_start3A_210 = tpu.memref_squeeze %dma_start3A_209 : memref<1x50x64xf32, #tpu.memory_space<hbm>> -> memref<50x64xf32, #tpu.memory_space<hbm>>
      %dma_start3A_211 = arith.constant 0 : i32
      %dma_start3A_212 = arith.constant 0 : i32
      %dma_start3A_213 = tpu.memref_slice %arg4[%add3A_200, %dma_start3A_211, %dma_start3A_212] : memref<16384x56x128xf32, #tpu.memory_space<hbm>> -> memref<1x50x64xf32, #tpu.memory_space<hbm>>
      %dma_start3A_214 = tpu.memref_squeeze %dma_start3A_213 : memref<1x50x64xf32, #tpu.memory_space<hbm>> -> memref<50x64xf32, #tpu.memory_space<hbm>>
      %dma_start3A_215 = arith.constant 100 : i32
      %dma_start3A_216 = arith.constant 0 : i32
      %dma_start3A_217 = tpu.memref_slice %arg6[%dma_start3A_201, %dma_start3A_202, %dma_start3A_215, %dma_start3A_216] : memref<2x2x200x64xf32, #tpu.memory_space<vmem>> -> memref<1x1x50x64xf32, #tpu.memory_space<vmem>>
      %dma_start3A_218 = tpu.memref_squeeze %dma_start3A_217 : memref<1x1x50x64xf32, #tpu.memory_space<vmem>> -> memref<50x64xf32, #tpu.memory_space<vmem>>
      tpu.enqueue_dma source(%dma_start3A_218 : memref<50x64xf32, #tpu.memory_space<vmem>>) target(%dma_start3A_214 : memref<50x64xf32, #tpu.memory_space<hbm>>) target_semaphore(%arg8 : memref<!tpu.dma_semaphore, #tpu.memory_space<semaphore_mem>>)
      %add3A_219 = arith.addi %mul3A_2, %mul3A_91 : i32
      %jit3A_220 = arith.constant 50 : i32
      %div3A_221 = arith.divsi %add3A_219, %jit3A_220 : i32
      %sign3A_222 = arith.constant 0 : i32
      %sign3A_223 = arith.cmpi sgt, %add3A_219, %sign3A_222 : i32
      %sign3A_224 = arith.extui %sign3A_223 : i1 to i32
      %sign3A_225 = arith.constant 0 : i32
      %sign3A_226 = arith.cmpi slt, %add3A_219, %sign3A_225 : i32
      %sign3A_227 = arith.extui %sign3A_226 : i1 to i32
      %sign3A_228 = arith.subi %sign3A_224, %sign3A_227 : i32
      %sign3A_229 = arith.constant 0 : i32
      %sign3A_230 = arith.cmpi sgt, %jit3A_220, %sign3A_229 : i32
      %sign3A_231 = arith.extui %sign3A_230 : i1 to i32
      %sign3A_232 = arith.constant 0 : i32
      %sign3A_233 = arith.cmpi slt, %jit3A_220, %sign3A_232 : i32
      %sign3A_234 = arith.extui %sign3A_233 : i1 to i32
      %sign3A_235 = arith.subi %sign3A_231, %sign3A_234 : i32
      %ne3A_236 = arith.cmpi ne, %sign3A_228, %sign3A_235 : i32
      %rem3A_237 = arith.remsi %add3A_219, %jit3A_220 : i32
      %ne3A_238 = arith.constant 0 : i32
      %ne3A_239 = arith.cmpi ne, %rem3A_237, %ne3A_238 : i32
      %and3A_240 = arith.andi %ne3A_236, %ne3A_239 : i1
      %sub3A_241 = arith.constant 1 : i32
      %sub3A_242 = arith.subi %div3A_221, %sub3A_241 : i32
      %select_n3A_243 = arith.select %and3A_240, %sub3A_242, %div3A_221 : i32
      %add3A_244 = arith.constant 3 : i32
      %add3A_245 = arith.addi %select_n3A_243, %add3A_244 : i32
      %dma_start3A_246 = arith.constant 0 : i32
      %dma_start3A_247 = arith.constant 0 : i32
      %dma_start3A_248 = arith.constant 150 : i32
      %dma_start3A_249 = arith.constant 0 : i32
      %dma_start3A_250 = tpu.memref_slice %arg6[%dma_start3A_246, %dma_start3A_247, %dma_start3A_248, %dma_start3A_249] : memref<2x2x200x64xf32, #tpu.memory_space<vmem>> -> memref<1x1x50x64xf32, #tpu.memory_space<vmem>>
      %dma_start3A_251 = tpu.memref_squeeze %dma_start3A_250 : memref<1x1x50x64xf32, #tpu.memory_space<vmem>> -> memref<50x64xf32, #tpu.memory_space<vmem>>
      %dma_start3A_252 = arith.constant 0 : i32
      %dma_start3A_253 = arith.constant 0 : i32
      %dma_start3A_254 = tpu.memref_slice %arg4[%add3A_245, %dma_start3A_252, %dma_start3A_253] : memref<16384x56x128xf32, #tpu.memory_space<hbm>> -> memref<1x50x64xf32, #tpu.memory_space<hbm>>
      %dma_start3A_255 = tpu.memref_squeeze %dma_start3A_254 : memref<1x50x64xf32, #tpu.memory_space<hbm>> -> memref<50x64xf32, #tpu.memory_space<hbm>>
      %dma_start3A_256 = arith.constant 0 : i32
      %dma_start3A_257 = arith.constant 0 : i32
      %dma_start3A_258 = tpu.memref_slice %arg4[%add3A_245, %dma_start3A_256, %dma_start3A_257] : memref<16384x56x128xf32, #tpu.memory_space<hbm>> -> memref<1x50x64xf32, #tpu.memory_space<hbm>>
      %dma_start3A_259 = tpu.memref_squeeze %dma_start3A_258 : memref<1x50x64xf32, #tpu.memory_space<hbm>> -> memref<50x64xf32, #tpu.memory_space<hbm>>
      %dma_start3A_260 = arith.constant 150 : i32
      %dma_start3A_261 = arith.constant 0 : i32
      %dma_start3A_262 = tpu.memref_slice %arg6[%dma_start3A_246, %dma_start3A_247, %dma_start3A_260, %dma_start3A_261] : memref<2x2x200x64xf32, #tpu.memory_space<vmem>> -> memref<1x1x50x64xf32, #tpu.memory_space<vmem>>
      %dma_start3A_263 = tpu.memref_squeeze %dma_start3A_262 : memref<1x1x50x64xf32, #tpu.memory_space<vmem>> -> memref<50x64xf32, #tpu.memory_space<vmem>>
      tpu.enqueue_dma source(%dma_start3A_263 : memref<50x64xf32, #tpu.memory_space<vmem>>) target(%dma_start3A_259 : memref<50x64xf32, #tpu.memory_space<hbm>>) target_semaphore(%arg8 : memref<!tpu.dma_semaphore, #tpu.memory_space<semaphore_mem>>)
      %mul3A_264 = arith.constant 2 : i32
      %mul3A_265 = arith.muli %add3A_54, %mul3A_264 : i32
      %add3A_266 = arith.constant 1 : i32
      %add3A_267 = arith.addi %mul3A_265, %add3A_266 : i32
      %mul3A_268 = arith.constant 200 : i32
      %mul3A_269 = arith.muli %add3A_267, %mul3A_268 : i32
      %add3A_270 = arith.addi %mul3A_2, %mul3A_269 : i32
      %jit3A_271 = arith.constant 50 : i32
      %div3A_272 = arith.divsi %add3A_270, %jit3A_271 : i32
      %sign3A_273 = arith.constant 0 : i32
      %sign3A_274 = arith.cmpi sgt, %add3A_270, %sign3A_273 : i32
      %sign3A_275 = arith.extui %sign3A_274 : i1 to i32
      %sign3A_276 = arith.constant 0 : i32
      %sign3A_277 = arith.cmpi slt, %add3A_270, %sign3A_276 : i32
      %sign3A_278 = arith.extui %sign3A_277 : i1 to i32
      %sign3A_279 = arith.subi %sign3A_275, %sign3A_278 : i32
      %sign3A_280 = arith.constant 0 : i32
      %sign3A_281 = arith.cmpi sgt, %jit3A_271, %sign3A_280 : i32
      %sign3A_282 = arith.extui %sign3A_281 : i1 to i32
      %sign3A_283 = arith.constant 0 : i32
      %sign3A_284 = arith.cmpi slt, %jit3A_271, %sign3A_283 : i32
      %sign3A_285 = arith.extui %sign3A_284 : i1 to i32
      %sign3A_286 = arith.subi %sign3A_282, %sign3A_285 : i32
      %ne3A_287 = arith.cmpi ne, %sign3A_279, %sign3A_286 : i32
      %rem3A_288 = arith.remsi %add3A_270, %jit3A_271 : i32
      %ne3A_289 = arith.constant 0 : i32
      %ne3A_290 = arith.cmpi ne, %rem3A_288, %ne3A_289 : i32
      %and3A_291 = arith.andi %ne3A_287, %ne3A_290 : i1
      %sub3A_292 = arith.constant 1 : i32
      %sub3A_293 = arith.subi %div3A_272, %sub3A_292 : i32
      %select_n3A_294 = arith.select %and3A_291, %sub3A_293, %div3A_272 : i32
      %add3A_295 = arith.constant 0 : i32
      %add3A_296 = arith.addi %select_n3A_294, %add3A_295 : i32
      %dma_start3A_297 = arith.constant 0 : i32
      %dma_start3A_298 = arith.constant 1 : i32
      %dma_start3A_299 = arith.constant 0 : i32
      %dma_start3A_300 = arith.constant 0 : i32
      %dma_start3A_301 = tpu.memref_slice %arg6[%dma_start3A_297, %dma_start3A_298, %dma_start3A_299, %dma_start3A_300] : memref<2x2x200x64xf32, #tpu.memory_space<vmem>> -> memref<1x1x50x64xf32, #tpu.memory_space<vmem>>
      %dma_start3A_302 = tpu.memref_squeeze %dma_start3A_301 : memref<1x1x50x64xf32, #tpu.memory_space<vmem>> -> memref<50x64xf32, #tpu.memory_space<vmem>>
      %dma_start3A_303 = arith.constant 0 : i32
      %dma_start3A_304 = arith.constant 0 : i32
      %dma_start3A_305 = tpu.memref_slice %arg4[%add3A_296, %dma_start3A_303, %dma_start3A_304] : memref<16384x56x128xf32, #tpu.memory_space<hbm>> -> memref<1x50x64xf32, #tpu.memory_space<hbm>>
      %dma_start3A_306 = tpu.memref_squeeze %dma_start3A_305 : memref<1x50x64xf32, #tpu.memory_space<hbm>> -> memref<50x64xf32, #tpu.memory_space<hbm>>
      %dma_start3A_307 = arith.constant 0 : i32
      %dma_start3A_308 = arith.constant 0 : i32
      %dma_start3A_309 = tpu.memref_slice %arg4[%add3A_296, %dma_start3A_307, %dma_start3A_308] : memref<16384x56x128xf32, #tpu.memory_space<hbm>> -> memref<1x50x64xf32, #tpu.memory_space<hbm>>
      %dma_start3A_310 = tpu.memref_squeeze %dma_start3A_309 : memref<1x50x64xf32, #tpu.memory_space<hbm>> -> memref<50x64xf32, #tpu.memory_space<hbm>>
      %dma_start3A_311 = arith.constant 0 : i32
      %dma_start3A_312 = arith.constant 0 : i32
      %dma_start3A_313 = tpu.memref_slice %arg6[%dma_start3A_297, %dma_start3A_298, %dma_start3A_311, %dma_start3A_312] : memref<2x2x200x64xf32, #tpu.memory_space<vmem>> -> memref<1x1x50x64xf32, #tpu.memory_space<vmem>>
      %dma_start3A_314 = tpu.memref_squeeze %dma_start3A_313 : memref<1x1x50x64xf32, #tpu.memory_space<vmem>> -> memref<50x64xf32, #tpu.memory_space<vmem>>
      tpu.enqueue_dma source(%dma_start3A_314 : memref<50x64xf32, #tpu.memory_space<vmem>>) target(%dma_start3A_310 : memref<50x64xf32, #tpu.memory_space<hbm>>) target_semaphore(%arg8 : memref<!tpu.dma_semaphore, #tpu.memory_space<semaphore_mem>>)
      %add3A_315 = arith.addi %mul3A_2, %mul3A_269 : i32
      %jit3A_316 = arith.constant 50 : i32
      %div3A_317 = arith.divsi %add3A_315, %jit3A_316 : i32
      %sign3A_318 = arith.constant 0 : i32
      %sign3A_319 = arith.cmpi sgt, %add3A_315, %sign3A_318 : i32
      %sign3A_320 = arith.extui %sign3A_319 : i1 to i32
      %sign3A_321 = arith.constant 0 : i32
      %sign3A_322 = arith.cmpi slt, %add3A_315, %sign3A_321 : i32
      %sign3A_323 = arith.extui %sign3A_322 : i1 to i32
      %sign3A_324 = arith.subi %sign3A_320, %sign3A_323 : i32
      %sign3A_325 = arith.constant 0 : i32
      %sign3A_326 = arith.cmpi sgt, %jit3A_316, %sign3A_325 : i32
      %sign3A_327 = arith.extui %sign3A_326 : i1 to i32
      %sign3A_328 = arith.constant 0 : i32
      %sign3A_329 = arith.cmpi slt, %jit3A_316, %sign3A_328 : i32
      %sign3A_330 = arith.extui %sign3A_329 : i1 to i32
      %sign3A_331 = arith.subi %sign3A_327, %sign3A_330 : i32
      %ne3A_332 = arith.cmpi ne, %sign3A_324, %sign3A_331 : i32
      %rem3A_333 = arith.remsi %add3A_315, %jit3A_316 : i32
      %ne3A_334 = arith.constant 0 : i32
      %ne3A_335 = arith.cmpi ne, %rem3A_333, %ne3A_334 : i32
      %and3A_336 = arith.andi %ne3A_332, %ne3A_335 : i1
      %sub3A_337 = arith.constant 1 : i32
      %sub3A_338 = arith.subi %div3A_317, %sub3A_337 : i32
      %select_n3A_339 = arith.select %and3A_336, %sub3A_338, %div3A_317 : i32
      %add3A_340 = arith.constant 1 : i32
      %add3A_341 = arith.addi %select_n3A_339, %add3A_340 : i32
      %dma_start3A_342 = arith.constant 0 : i32
      %dma_start3A_343 = arith.constant 1 : i32
      %dma_start3A_344 = arith.constant 50 : i32
      %dma_start3A_345 = arith.constant 0 : i32
      %dma_start3A_346 = tpu.memref_slice %arg6[%dma_start3A_342, %dma_start3A_343, %dma_start3A_344, %dma_start3A_345] : memref<2x2x200x64xf32, #tpu.memory_space<vmem>> -> memref<1x1x50x64xf32, #tpu.memory_space<vmem>>
      %dma_start3A_347 = tpu.memref_squeeze %dma_start3A_346 : memref<1x1x50x64xf32, #tpu.memory_space<vmem>> -> memref<50x64xf32, #tpu.memory_space<vmem>>
      %dma_start3A_348 = arith.constant 0 : i32
      %dma_start3A_349 = arith.constant 0 : i32
      %dma_start3A_350 = tpu.memref_slice %arg4[%add3A_341, %dma_start3A_348, %dma_start3A_349] : memref<16384x56x128xf32, #tpu.memory_space<hbm>> -> memref<1x50x64xf32, #tpu.memory_space<hbm>>
      %dma_start3A_351 = tpu.memref_squeeze %dma_start3A_350 : memref<1x50x64xf32, #tpu.memory_space<hbm>> -> memref<50x64xf32, #tpu.memory_space<hbm>>
      %dma_start3A_352 = arith.constant 0 : i32
      %dma_start3A_353 = arith.constant 0 : i32
      %dma_start3A_354 = tpu.memref_slice %arg4[%add3A_341, %dma_start3A_352, %dma_start3A_353] : memref<16384x56x128xf32, #tpu.memory_space<hbm>> -> memref<1x50x64xf32, #tpu.memory_space<hbm>>
      %dma_start3A_355 = tpu.memref_squeeze %dma_start3A_354 : memref<1x50x64xf32, #tpu.memory_space<hbm>> -> memref<50x64xf32, #tpu.memory_space<hbm>>
      %dma_start3A_356 = arith.constant 50 : i32
      %dma_start3A_357 = arith.constant 0 : i32
      %dma_start3A_358 = tpu.memref_slice %arg6[%dma_start3A_342, %dma_start3A_343, %dma_start3A_356, %dma_start3A_357] : memref<2x2x200x64xf32, #tpu.memory_space<vmem>> -> memref<1x1x50x64xf32, #tpu.memory_space<vmem>>
      %dma_start3A_359 = tpu.memref_squeeze %dma_start3A_358 : memref<1x1x50x64xf32, #tpu.memory_space<vmem>> -> memref<50x64xf32, #tpu.memory_space<vmem>>
      tpu.enqueue_dma source(%dma_start3A_359 : memref<50x64xf32, #tpu.memory_space<vmem>>) target(%dma_start3A_355 : memref<50x64xf32, #tpu.memory_space<hbm>>) target_semaphore(%arg8 : memref<!tpu.dma_semaphore, #tpu.memory_space<semaphore_mem>>)
      %add3A_360 = arith.addi %mul3A_2, %mul3A_269 : i32
      %jit3A_361 = arith.constant 50 : i32
      %div3A_362 = arith.divsi %add3A_360, %jit3A_361 : i32
      %sign3A_363 = arith.constant 0 : i32
      %sign3A_364 = arith.cmpi sgt, %add3A_360, %sign3A_363 : i32
      %sign3A_365 = arith.extui %sign3A_364 : i1 to i32
      %sign3A_366 = arith.constant 0 : i32
      %sign3A_367 = arith.cmpi slt, %add3A_360, %sign3A_366 : i32
      %sign3A_368 = arith.extui %sign3A_367 : i1 to i32
      %sign3A_369 = arith.subi %sign3A_365, %sign3A_368 : i32
      %sign3A_370 = arith.constant 0 : i32
      %sign3A_371 = arith.cmpi sgt, %jit3A_361, %sign3A_370 : i32
      %sign3A_372 = arith.extui %sign3A_371 : i1 to i32
      %sign3A_373 = arith.constant 0 : i32
      %sign3A_374 = arith.cmpi slt, %jit3A_361, %sign3A_373 : i32
      %sign3A_375 = arith.extui %sign3A_374 : i1 to i32
      %sign3A_376 = arith.subi %sign3A_372, %sign3A_375 : i32
      %ne3A_377 = arith.cmpi ne, %sign3A_369, %sign3A_376 : i32
      %rem3A_378 = arith.remsi %add3A_360, %jit3A_361 : i32
      %ne3A_379 = arith.constant 0 : i32
      %ne3A_380 = arith.cmpi ne, %rem3A_378, %ne3A_379 : i32
      %and3A_381 = arith.andi %ne3A_377, %ne3A_380 : i1
      %sub3A_382 = arith.constant 1 : i32
      %sub3A_383 = arith.subi %div3A_362, %sub3A_382 : i32
      %select_n3A_384 = arith.select %and3A_381, %sub3A_383, %div3A_362 : i32
      %add3A_385 = arith.constant 2 : i32
      %add3A_386 = arith.addi %select_n3A_384, %add3A_385 : i32
      %dma_start3A_387 = arith.constant 0 : i32
      %dma_start3A_388 = arith.constant 1 : i32
      %dma_start3A_389 = arith.constant 100 : i32
      %dma_start3A_390 = arith.constant 0 : i32
      %dma_start3A_391 = tpu.memref_slice %arg6[%dma_start3A_387, %dma_start3A_388, %dma_start3A_389, %dma_start3A_390] : memref<2x2x200x64xf32, #tpu.memory_space<vmem>> -> memref<1x1x50x64xf32, #tpu.memory_space<vmem>>
      %dma_start3A_392 = tpu.memref_squeeze %dma_start3A_391 : memref<1x1x50x64xf32, #tpu.memory_space<vmem>> -> memref<50x64xf32, #tpu.memory_space<vmem>>
      %dma_start3A_393 = arith.constant 0 : i32
      %dma_start3A_394 = arith.constant 0 : i32
      %dma_start3A_395 = tpu.memref_slice %arg4[%add3A_386, %dma_start3A_393, %dma_start3A_394] : memref<16384x56x128xf32, #tpu.memory_space<hbm>> -> memref<1x50x64xf32, #tpu.memory_space<hbm>>
      %dma_start3A_396 = tpu.memref_squeeze %dma_start3A_395 : memref<1x50x64xf32, #tpu.memory_space<hbm>> -> memref<50x64xf32, #tpu.memory_space<hbm>>
      %dma_start3A_397 = arith.constant 0 : i32
      %dma_start3A_398 = arith.constant 0 : i32
      %dma_start3A_399 = tpu.memref_slice %arg4[%add3A_386, %dma_start3A_397, %dma_start3A_398] : memref<16384x56x128xf32, #tpu.memory_space<hbm>> -> memref<1x50x64xf32, #tpu.memory_space<hbm>>
      %dma_start3A_400 = tpu.memref_squeeze %dma_start3A_399 : memref<1x50x64xf32, #tpu.memory_space<hbm>> -> memref<50x64xf32, #tpu.memory_space<hbm>>
      %dma_start3A_401 = arith.constant 100 : i32
      %dma_start3A_402 = arith.constant 0 : i32
      %dma_start3A_403 = tpu.memref_slice %arg6[%dma_start3A_387, %dma_start3A_388, %dma_start3A_401, %dma_start3A_402] : memref<2x2x200x64xf32, #tpu.memory_space<vmem>> -> memref<1x1x50x64xf32, #tpu.memory_space<vmem>>
      %dma_start3A_404 = tpu.memref_squeeze %dma_start3A_403 : memref<1x1x50x64xf32, #tpu.memory_space<vmem>> -> memref<50x64xf32, #tpu.memory_space<vmem>>
      tpu.enqueue_dma source(%dma_start3A_404 : memref<50x64xf32, #tpu.memory_space<vmem>>) target(%dma_start3A_400 : memref<50x64xf32, #tpu.memory_space<hbm>>) target_semaphore(%arg8 : memref<!tpu.dma_semaphore, #tpu.memory_space<semaphore_mem>>)
      %add3A_405 = arith.addi %mul3A_2, %mul3A_269 : i32
      %jit3A_406 = arith.constant 50 : i32
      %div3A_407 = arith.divsi %add3A_405, %jit3A_406 : i32
      %sign3A_408 = arith.constant 0 : i32
      %sign3A_409 = arith.cmpi sgt, %add3A_405, %sign3A_408 : i32
      %sign3A_410 = arith.extui %sign3A_409 : i1 to i32
      %sign3A_411 = arith.constant 0 : i32
      %sign3A_412 = arith.cmpi slt, %add3A_405, %sign3A_411 : i32
      %sign3A_413 = arith.extui %sign3A_412 : i1 to i32
      %sign3A_414 = arith.subi %sign3A_410, %sign3A_413 : i32
      %sign3A_415 = arith.constant 0 : i32
      %sign3A_416 = arith.cmpi sgt, %jit3A_406, %sign3A_415 : i32
      %sign3A_417 = arith.extui %sign3A_416 : i1 to i32
      %sign3A_418 = arith.constant 0 : i32
      %sign3A_419 = arith.cmpi slt, %jit3A_406, %sign3A_418 : i32
      %sign3A_420 = arith.extui %sign3A_419 : i1 to i32
      %sign3A_421 = arith.subi %sign3A_417, %sign3A_420 : i32
      %ne3A_422 = arith.cmpi ne, %sign3A_414, %sign3A_421 : i32
      %rem3A_423 = arith.remsi %add3A_405, %jit3A_406 : i32
      %ne3A_424 = arith.constant 0 : i32
      %ne3A_425 = arith.cmpi ne, %rem3A_423, %ne3A_424 : i32
      %and3A_426 = arith.andi %ne3A_422, %ne3A_425 : i1
      %sub3A_427 = arith.constant 1 : i32
      %sub3A_428 = arith.subi %div3A_407, %sub3A_427 : i32
      %select_n3A_429 = arith.select %and3A_426, %sub3A_428, %div3A_407 : i32
      %add3A_430 = arith.constant 3 : i32
      %add3A_431 = arith.addi %select_n3A_429, %add3A_430 : i32
      %dma_start3A_432 = arith.constant 0 : i32
      %dma_start3A_433 = arith.constant 1 : i32
      %dma_start3A_434 = arith.constant 150 : i32
      %dma_start3A_435 = arith.constant 0 : i32
      %dma_start3A_436 = tpu.memref_slice %arg6[%dma_start3A_432, %dma_start3A_433, %dma_start3A_434, %dma_start3A_435] : memref<2x2x200x64xf32, #tpu.memory_space<vmem>> -> memref<1x1x50x64xf32, #tpu.memory_space<vmem>>
      %dma_start3A_437 = tpu.memref_squeeze %dma_start3A_436 : memref<1x1x50x64xf32, #tpu.memory_space<vmem>> -> memref<50x64xf32, #tpu.memory_space<vmem>>
      %dma_start3A_438 = arith.constant 0 : i32
      %dma_start3A_439 = arith.constant 0 : i32
      %dma_start3A_440 = tpu.memref_slice %arg4[%add3A_431, %dma_start3A_438, %dma_start3A_439] : memref<16384x56x128xf32, #tpu.memory_space<hbm>> -> memref<1x50x64xf32, #tpu.memory_space<hbm>>
      %dma_start3A_441 = tpu.memref_squeeze %dma_start3A_440 : memref<1x50x64xf32, #tpu.memory_space<hbm>> -> memref<50x64xf32, #tpu.memory_space<hbm>>
      %dma_start3A_442 = arith.constant 0 : i32
      %dma_start3A_443 = arith.constant 0 : i32
      %dma_start3A_444 = tpu.memref_slice %arg4[%add3A_431, %dma_start3A_442, %dma_start3A_443] : memref<16384x56x128xf32, #tpu.memory_space<hbm>> -> memref<1x50x64xf32, #tpu.memory_space<hbm>>
      %dma_start3A_445 = tpu.memref_squeeze %dma_start3A_444 : memref<1x50x64xf32, #tpu.memory_space<hbm>> -> memref<50x64xf32, #tpu.memory_space<hbm>>
      %dma_start3A_446 = arith.constant 150 : i32
      %dma_start3A_447 = arith.constant 0 : i32
      %dma_start3A_448 = tpu.memref_slice %arg6[%dma_start3A_432, %dma_start3A_433, %dma_start3A_446, %dma_start3A_447] : memref<2x2x200x64xf32, #tpu.memory_space<vmem>> -> memref<1x1x50x64xf32, #tpu.memory_space<vmem>>
      %dma_start3A_449 = tpu.memref_squeeze %dma_start3A_448 : memref<1x1x50x64xf32, #tpu.memory_space<vmem>> -> memref<50x64xf32, #tpu.memory_space<vmem>>
      tpu.enqueue_dma source(%dma_start3A_449 : memref<50x64xf32, #tpu.memory_space<vmem>>) target(%dma_start3A_445 : memref<50x64xf32, #tpu.memory_space<hbm>>) target_semaphore(%arg8 : memref<!tpu.dma_semaphore, #tpu.memory_space<semaphore_mem>>)
      %mul3A_450 = arith.constant 2 : i32
      %mul3A_451 = arith.muli %add3A_54, %mul3A_450 : i32
      %add3A_452 = arith.constant 0 : i32
      %add3A_453 = arith.addi %mul3A_451, %add3A_452 : i32
      %mul3A_454 = arith.constant 200 : i32
      %mul3A_455 = arith.muli %add3A_453, %mul3A_454 : i32
      %add3A_456 = arith.addi %mul3A_2, %mul3A_455 : i32
      %jit3A_457 = arith.constant 50 : i32
      %div3A_458 = arith.divsi %add3A_456, %jit3A_457 : i32
      %sign3A_459 = arith.constant 0 : i32
      %sign3A_460 = arith.cmpi sgt, %add3A_456, %sign3A_459 : i32
      %sign3A_461 = arith.extui %sign3A_460 : i1 to i32
      %sign3A_462 = arith.constant 0 : i32
      %sign3A_463 = arith.cmpi slt, %add3A_456, %sign3A_462 : i32
      %sign3A_464 = arith.extui %sign3A_463 : i1 to i32
      %sign3A_465 = arith.subi %sign3A_461, %sign3A_464 : i32
      %sign3A_466 = arith.constant 0 : i32
      %sign3A_467 = arith.cmpi sgt, %jit3A_457, %sign3A_466 : i32
      %sign3A_468 = arith.extui %sign3A_467 : i1 to i32
      %sign3A_469 = arith.constant 0 : i32
      %sign3A_470 = arith.cmpi slt, %jit3A_457, %sign3A_469 : i32
      %sign3A_471 = arith.extui %sign3A_470 : i1 to i32
      %sign3A_472 = arith.subi %sign3A_468, %sign3A_471 : i32
      %ne3A_473 = arith.cmpi ne, %sign3A_465, %sign3A_472 : i32
      %rem3A_474 = arith.remsi %add3A_456, %jit3A_457 : i32
      %ne3A_475 = arith.constant 0 : i32
      %ne3A_476 = arith.cmpi ne, %rem3A_474, %ne3A_475 : i32
      %and3A_477 = arith.andi %ne3A_473, %ne3A_476 : i1
      %sub3A_478 = arith.constant 1 : i32
      %sub3A_479 = arith.subi %div3A_458, %sub3A_478 : i32
      %select_n3A_480 = arith.select %and3A_477, %sub3A_479, %div3A_458 : i32
      %add3A_481 = arith.constant 0 : i32
      %add3A_482 = arith.addi %select_n3A_480, %add3A_481 : i32
      %dma_wait3A_483 = arith.constant 0 : i32
      %dma_wait3A_484 = arith.constant 0 : i32
      %dma_wait3A_485 = arith.constant 0 : i32
      %dma_wait3A_486 = arith.constant 0 : i32
      %dma_wait3A_487 = tpu.memref_slice %arg6[%dma_wait3A_483, %dma_wait3A_484, %dma_wait3A_485, %dma_wait3A_486] : memref<2x2x200x64xf32, #tpu.memory_space<vmem>> -> memref<1x1x50x64xf32, #tpu.memory_space<vmem>>
      %dma_wait3A_488 = tpu.memref_squeeze %dma_wait3A_487 : memref<1x1x50x64xf32, #tpu.memory_space<vmem>> -> memref<50x64xf32, #tpu.memory_space<vmem>>
      %dma_wait3A_489 = arith.constant 0 : i32
      %dma_wait3A_490 = arith.constant 0 : i32
      %dma_wait3A_491 = tpu.memref_slice %arg4[%add3A_482, %dma_wait3A_489, %dma_wait3A_490] : memref<16384x56x128xf32, #tpu.memory_space<hbm>> -> memref<1x50x64xf32, #tpu.memory_space<hbm>>
      %dma_wait3A_492 = tpu.memref_squeeze %dma_wait3A_491 : memref<1x50x64xf32, #tpu.memory_space<hbm>> -> memref<50x64xf32, #tpu.memory_space<hbm>>
      %dma_wait3A_493 = arith.constant 0 : i32
      %dma_wait3A_494 = arith.constant 0 : i32
      %dma_wait3A_495 = tpu.memref_slice %arg4[%add3A_482, %dma_wait3A_493, %dma_wait3A_494] : memref<16384x56x128xf32, #tpu.memory_space<hbm>> -> memref<1x50x64xf32, #tpu.memory_space<hbm>>
      %dma_wait3A_496 = tpu.memref_squeeze %dma_wait3A_495 : memref<1x50x64xf32, #tpu.memory_space<hbm>> -> memref<50x64xf32, #tpu.memory_space<hbm>>
      %dma_wait3A_497 = arith.constant 0 : i32
      %dma_wait3A_498 = arith.constant 0 : i32
      %dma_wait3A_499 = tpu.memref_slice %arg6[%dma_wait3A_483, %dma_wait3A_484, %dma_wait3A_497, %dma_wait3A_498] : memref<2x2x200x64xf32, #tpu.memory_space<vmem>> -> memref<1x1x50x64xf32, #tpu.memory_space<vmem>>
      %dma_wait3A_500 = tpu.memref_squeeze %dma_wait3A_499 : memref<1x1x50x64xf32, #tpu.memory_space<vmem>> -> memref<50x64xf32, #tpu.memory_space<vmem>>
      tpu.wait_dma2 semaphore(%arg8 : memref<!tpu.dma_semaphore, #tpu.memory_space<semaphore_mem>>) src(%dma_wait3A_500 : memref<50x64xf32, #tpu.memory_space<vmem>>) dst(%dma_wait3A_496 : memref<50x64xf32, #tpu.memory_space<hbm>>)
      %add3A_501 = arith.addi %mul3A_2, %mul3A_455 : i32
      %jit3A_502 = arith.constant 50 : i32
      %div3A_503 = arith.divsi %add3A_501, %jit3A_502 : i32
      %sign3A_504 = arith.constant 0 : i32
      %sign3A_505 = arith.cmpi sgt, %add3A_501, %sign3A_504 : i32
      %sign3A_506 = arith.extui %sign3A_505 : i1 to i32
      %sign3A_507 = arith.constant 0 : i32
      %sign3A_508 = arith.cmpi slt, %add3A_501, %sign3A_507 : i32
      %sign3A_509 = arith.extui %sign3A_508 : i1 to i32
      %sign3A_510 = arith.subi %sign3A_506, %sign3A_509 : i32
      %sign3A_511 = arith.constant 0 : i32
      %sign3A_512 = arith.cmpi sgt, %jit3A_502, %sign3A_511 : i32
      %sign3A_513 = arith.extui %sign3A_512 : i1 to i32
      %sign3A_514 = arith.constant 0 : i32
      %sign3A_515 = arith.cmpi slt, %jit3A_502, %sign3A_514 : i32
      %sign3A_516 = arith.extui %sign3A_515 : i1 to i32
      %sign3A_517 = arith.subi %sign3A_513, %sign3A_516 : i32
      %ne3A_518 = arith.cmpi ne, %sign3A_510, %sign3A_517 : i32
      %rem3A_519 = arith.remsi %add3A_501, %jit3A_502 : i32
      %ne3A_520 = arith.constant 0 : i32
      %ne3A_521 = arith.cmpi ne, %rem3A_519, %ne3A_520 : i32
      %and3A_522 = arith.andi %ne3A_518, %ne3A_521 : i1
      %sub3A_523 = arith.constant 1 : i32
      %sub3A_524 = arith.subi %div3A_503, %sub3A_523 : i32
      %select_n3A_525 = arith.select %and3A_522, %sub3A_524, %div3A_503 : i32
      %add3A_526 = arith.constant 1 : i32
      %add3A_527 = arith.addi %select_n3A_525, %add3A_526 : i32
      %dma_wait3A_528 = arith.constant 0 : i32
      %dma_wait3A_529 = arith.constant 0 : i32
      %dma_wait3A_530 = arith.constant 50 : i32
      %dma_wait3A_531 = arith.constant 0 : i32
      %dma_wait3A_532 = tpu.memref_slice %arg6[%dma_wait3A_528, %dma_wait3A_529, %dma_wait3A_530, %dma_wait3A_531] : memref<2x2x200x64xf32, #tpu.memory_space<vmem>> -> memref<1x1x50x64xf32, #tpu.memory_space<vmem>>
      %dma_wait3A_533 = tpu.memref_squeeze %dma_wait3A_532 : memref<1x1x50x64xf32, #tpu.memory_space<vmem>> -> memref<50x64xf32, #tpu.memory_space<vmem>>
      %dma_wait3A_534 = arith.constant 0 : i32
      %dma_wait3A_535 = arith.constant 0 : i32
      %dma_wait3A_536 = tpu.memref_slice %arg4[%add3A_527, %dma_wait3A_534, %dma_wait3A_535] : memref<16384x56x128xf32, #tpu.memory_space<hbm>> -> memref<1x50x64xf32, #tpu.memory_space<hbm>>
      %dma_wait3A_537 = tpu.memref_squeeze %dma_wait3A_536 : memref<1x50x64xf32, #tpu.memory_space<hbm>> -> memref<50x64xf32, #tpu.memory_space<hbm>>
      %dma_wait3A_538 = arith.constant 0 : i32
      %dma_wait3A_539 = arith.constant 0 : i32
      %dma_wait3A_540 = tpu.memref_slice %arg4[%add3A_527, %dma_wait3A_538, %dma_wait3A_539] : memref<16384x56x128xf32, #tpu.memory_space<hbm>> -> memref<1x50x64xf32, #tpu.memory_space<hbm>>
      %dma_wait3A_541 = tpu.memref_squeeze %dma_wait3A_540 : memref<1x50x64xf32, #tpu.memory_space<hbm>> -> memref<50x64xf32, #tpu.memory_space<hbm>>
      %dma_wait3A_542 = arith.constant 50 : i32
      %dma_wait3A_543 = arith.constant 0 : i32
      %dma_wait3A_544 = tpu.memref_slice %arg6[%dma_wait3A_528, %dma_wait3A_529, %dma_wait3A_542, %dma_wait3A_543] : memref<2x2x200x64xf32, #tpu.memory_space<vmem>> -> memref<1x1x50x64xf32, #tpu.memory_space<vmem>>
      %dma_wait3A_545 = tpu.memref_squeeze %dma_wait3A_544 : memref<1x1x50x64xf32, #tpu.memory_space<vmem>> -> memref<50x64xf32, #tpu.memory_space<vmem>>
      tpu.wait_dma2 semaphore(%arg8 : memref<!tpu.dma_semaphore, #tpu.memory_space<semaphore_mem>>) src(%dma_wait3A_545 : memref<50x64xf32, #tpu.memory_space<vmem>>) dst(%dma_wait3A_541 : memref<50x64xf32, #tpu.memory_space<hbm>>)
      %add3A_546 = arith.addi %mul3A_2, %mul3A_455 : i32
      %jit3A_547 = arith.constant 50 : i32
      %div3A_548 = arith.divsi %add3A_546, %jit3A_547 : i32
      %sign3A_549 = arith.constant 0 : i32
      %sign3A_550 = arith.cmpi sgt, %add3A_546, %sign3A_549 : i32
      %sign3A_551 = arith.extui %sign3A_550 : i1 to i32
      %sign3A_552 = arith.constant 0 : i32
      %sign3A_553 = arith.cmpi slt, %add3A_546, %sign3A_552 : i32
      %sign3A_554 = arith.extui %sign3A_553 : i1 to i32
      %sign3A_555 = arith.subi %sign3A_551, %sign3A_554 : i32
      %sign3A_556 = arith.constant 0 : i32
      %sign3A_557 = arith.cmpi sgt, %jit3A_547, %sign3A_556 : i32
      %sign3A_558 = arith.extui %sign3A_557 : i1 to i32
      %sign3A_559 = arith.constant 0 : i32
      %sign3A_560 = arith.cmpi slt, %jit3A_547, %sign3A_559 : i32
      %sign3A_561 = arith.extui %sign3A_560 : i1 to i32
      %sign3A_562 = arith.subi %sign3A_558, %sign3A_561 : i32
      %ne3A_563 = arith.cmpi ne, %sign3A_555, %sign3A_562 : i32
      %rem3A_564 = arith.remsi %add3A_546, %jit3A_547 : i32
      %ne3A_565 = arith.constant 0 : i32
      %ne3A_566 = arith.cmpi ne, %rem3A_564, %ne3A_565 : i32
      %and3A_567 = arith.andi %ne3A_563, %ne3A_566 : i1
      %sub3A_568 = arith.constant 1 : i32
      %sub3A_569 = arith.subi %div3A_548, %sub3A_568 : i32
      %select_n3A_570 = arith.select %and3A_567, %sub3A_569, %div3A_548 : i32
      %add3A_571 = arith.constant 2 : i32
      %add3A_572 = arith.addi %select_n3A_570, %add3A_571 : i32
      %dma_wait3A_573 = arith.constant 0 : i32
      %dma_wait3A_574 = arith.constant 0 : i32
      %dma_wait3A_575 = arith.constant 100 : i32
      %dma_wait3A_576 = arith.constant 0 : i32
      %dma_wait3A_577 = tpu.memref_slice %arg6[%dma_wait3A_573, %dma_wait3A_574, %dma_wait3A_575, %dma_wait3A_576] : memref<2x2x200x64xf32, #tpu.memory_space<vmem>> -> memref<1x1x50x64xf32, #tpu.memory_space<vmem>>
      %dma_wait3A_578 = tpu.memref_squeeze %dma_wait3A_577 : memref<1x1x50x64xf32, #tpu.memory_space<vmem>> -> memref<50x64xf32, #tpu.memory_space<vmem>>
      %dma_wait3A_579 = arith.constant 0 : i32
      %dma_wait3A_580 = arith.constant 0 : i32
      %dma_wait3A_581 = tpu.memref_slice %arg4[%add3A_572, %dma_wait3A_579, %dma_wait3A_580] : memref<16384x56x128xf32, #tpu.memory_space<hbm>> -> memref<1x50x64xf32, #tpu.memory_space<hbm>>
      %dma_wait3A_582 = tpu.memref_squeeze %dma_wait3A_581 : memref<1x50x64xf32, #tpu.memory_space<hbm>> -> memref<50x64xf32, #tpu.memory_space<hbm>>
      %dma_wait3A_583 = arith.constant 0 : i32
      %dma_wait3A_584 = arith.constant 0 : i32
      %dma_wait3A_585 = tpu.memref_slice %arg4[%add3A_572, %dma_wait3A_583, %dma_wait3A_584] : memref<16384x56x128xf32, #tpu.memory_space<hbm>> -> memref<1x50x64xf32, #tpu.memory_space<hbm>>
      %dma_wait3A_586 = tpu.memref_squeeze %dma_wait3A_585 : memref<1x50x64xf32, #tpu.memory_space<hbm>> -> memref<50x64xf32, #tpu.memory_space<hbm>>
      %dma_wait3A_587 = arith.constant 100 : i32
      %dma_wait3A_588 = arith.constant 0 : i32
      %dma_wait3A_589 = tpu.memref_slice %arg6[%dma_wait3A_573, %dma_wait3A_574, %dma_wait3A_587, %dma_wait3A_588] : memref<2x2x200x64xf32, #tpu.memory_space<vmem>> -> memref<1x1x50x64xf32, #tpu.memory_space<vmem>>
      %dma_wait3A_590 = tpu.memref_squeeze %dma_wait3A_589 : memref<1x1x50x64xf32, #tpu.memory_space<vmem>> -> memref<50x64xf32, #tpu.memory_space<vmem>>
      tpu.wait_dma2 semaphore(%arg8 : memref<!tpu.dma_semaphore, #tpu.memory_space<semaphore_mem>>) src(%dma_wait3A_590 : memref<50x64xf32, #tpu.memory_space<vmem>>) dst(%dma_wait3A_586 : memref<50x64xf32, #tpu.memory_space<hbm>>)
      %add3A_591 = arith.addi %mul3A_2, %mul3A_455 : i32
      %jit3A_592 = arith.constant 50 : i32
      %div3A_593 = arith.divsi %add3A_591, %jit3A_592 : i32
      %sign3A_594 = arith.constant 0 : i32
      %sign3A_595 = arith.cmpi sgt, %add3A_591, %sign3A_594 : i32
      %sign3A_596 = arith.extui %sign3A_595 : i1 to i32
      %sign3A_597 = arith.constant 0 : i32
      %sign3A_598 = arith.cmpi slt, %add3A_591, %sign3A_597 : i32
      %sign3A_599 = arith.extui %sign3A_598 : i1 to i32
      %sign3A_600 = arith.subi %sign3A_596, %sign3A_599 : i32
      %sign3A_601 = arith.constant 0 : i32
      %sign3A_602 = arith.cmpi sgt, %jit3A_592, %sign3A_601 : i32
      %sign3A_603 = arith.extui %sign3A_602 : i1 to i32
      %sign3A_604 = arith.constant 0 : i32
      %sign3A_605 = arith.cmpi slt, %jit3A_592, %sign3A_604 : i32
      %sign3A_606 = arith.extui %sign3A_605 : i1 to i32
      %sign3A_607 = arith.subi %sign3A_603, %sign3A_606 : i32
      %ne3A_608 = arith.cmpi ne, %sign3A_600, %sign3A_607 : i32
      %rem3A_609 = arith.remsi %add3A_591, %jit3A_592 : i32
      %ne3A_610 = arith.constant 0 : i32
      %ne3A_611 = arith.cmpi ne, %rem3A_609, %ne3A_610 : i32
      %and3A_612 = arith.andi %ne3A_608, %ne3A_611 : i1
      %sub3A_613 = arith.constant 1 : i32
      %sub3A_614 = arith.subi %div3A_593, %sub3A_613 : i32
      %select_n3A_615 = arith.select %and3A_612, %sub3A_614, %div3A_593 : i32
      %add3A_616 = arith.constant 3 : i32
      %add3A_617 = arith.addi %select_n3A_615, %add3A_616 : i32
      %dma_wait3A_618 = arith.constant 0 : i32
      %dma_wait3A_619 = arith.constant 0 : i32
      %dma_wait3A_620 = arith.constant 150 : i32
      %dma_wait3A_621 = arith.constant 0 : i32
      %dma_wait3A_622 = tpu.memref_slice %arg6[%dma_wait3A_618, %dma_wait3A_619, %dma_wait3A_620, %dma_wait3A_621] : memref<2x2x200x64xf32, #tpu.memory_space<vmem>> -> memref<1x1x50x64xf32, #tpu.memory_space<vmem>>
      %dma_wait3A_623 = tpu.memref_squeeze %dma_wait3A_622 : memref<1x1x50x64xf32, #tpu.memory_space<vmem>> -> memref<50x64xf32, #tpu.memory_space<vmem>>
      %dma_wait3A_624 = arith.constant 0 : i32
      %dma_wait3A_625 = arith.constant 0 : i32
      %dma_wait3A_626 = tpu.memref_slice %arg4[%add3A_617, %dma_wait3A_624, %dma_wait3A_625] : memref<16384x56x128xf32, #tpu.memory_space<hbm>> -> memref<1x50x64xf32, #tpu.memory_space<hbm>>
      %dma_wait3A_627 = tpu.memref_squeeze %dma_wait3A_626 : memref<1x50x64xf32, #tpu.memory_space<hbm>> -> memref<50x64xf32, #tpu.memory_space<hbm>>
      %dma_wait3A_628 = arith.constant 0 : i32
      %dma_wait3A_629 = arith.constant 0 : i32
      %dma_wait3A_630 = tpu.memref_slice %arg4[%add3A_617, %dma_wait3A_628, %dma_wait3A_629] : memref<16384x56x128xf32, #tpu.memory_space<hbm>> -> memref<1x50x64xf32, #tpu.memory_space<hbm>>
      %dma_wait3A_631 = tpu.memref_squeeze %dma_wait3A_630 : memref<1x50x64xf32, #tpu.memory_space<hbm>> -> memref<50x64xf32, #tpu.memory_space<hbm>>
      %dma_wait3A_632 = arith.constant 150 : i32
      %dma_wait3A_633 = arith.constant 0 : i32
      %dma_wait3A_634 = tpu.memref_slice %arg6[%dma_wait3A_618, %dma_wait3A_619, %dma_wait3A_632, %dma_wait3A_633] : memref<2x2x200x64xf32, #tpu.memory_space<vmem>> -> memref<1x1x50x64xf32, #tpu.memory_space<vmem>>
      %dma_wait3A_635 = tpu.memref_squeeze %dma_wait3A_634 : memref<1x1x50x64xf32, #tpu.memory_space<vmem>> -> memref<50x64xf32, #tpu.memory_space<vmem>>
      tpu.wait_dma2 semaphore(%arg8 : memref<!tpu.dma_semaphore, #tpu.memory_space<semaphore_mem>>) src(%dma_wait3A_635 : memref<50x64xf32, #tpu.memory_space<vmem>>) dst(%dma_wait3A_631 : memref<50x64xf32, #tpu.memory_space<hbm>>)
      %mul3A_636 = arith.constant 2 : i32
      %mul3A_637 = arith.muli %add3A_54, %mul3A_636 : i32
      %add3A_638 = arith.constant 1 : i32
      %add3A_639 = arith.addi %mul3A_637, %add3A_638 : i32
      %mul3A_640 = arith.constant 200 : i32
      %mul3A_641 = arith.muli %add3A_639, %mul3A_640 : i32
      %add3A_642 = arith.addi %mul3A_2, %mul3A_641 : i32
      %jit3A_643 = arith.constant 50 : i32
      %div3A_644 = arith.divsi %add3A_642, %jit3A_643 : i32
      %sign3A_645 = arith.constant 0 : i32
      %sign3A_646 = arith.cmpi sgt, %add3A_642, %sign3A_645 : i32
      %sign3A_647 = arith.extui %sign3A_646 : i1 to i32
      %sign3A_648 = arith.constant 0 : i32
      %sign3A_649 = arith.cmpi slt, %add3A_642, %sign3A_648 : i32
      %sign3A_650 = arith.extui %sign3A_649 : i1 to i32
      %sign3A_651 = arith.subi %sign3A_647, %sign3A_650 : i32
      %sign3A_652 = arith.constant 0 : i32
      %sign3A_653 = arith.cmpi sgt, %jit3A_643, %sign3A_652 : i32
      %sign3A_654 = arith.extui %sign3A_653 : i1 to i32
      %sign3A_655 = arith.constant 0 : i32
      %sign3A_656 = arith.cmpi slt, %jit3A_643, %sign3A_655 : i32
      %sign3A_657 = arith.extui %sign3A_656 : i1 to i32
      %sign3A_658 = arith.subi %sign3A_654, %sign3A_657 : i32
      %ne3A_659 = arith.cmpi ne, %sign3A_651, %sign3A_658 : i32
      %rem3A_660 = arith.remsi %add3A_642, %jit3A_643 : i32
      %ne3A_661 = arith.constant 0 : i32
      %ne3A_662 = arith.cmpi ne, %rem3A_660, %ne3A_661 : i32
      %and3A_663 = arith.andi %ne3A_659, %ne3A_662 : i1
      %sub3A_664 = arith.constant 1 : i32
      %sub3A_665 = arith.subi %div3A_644, %sub3A_664 : i32
      %select_n3A_666 = arith.select %and3A_663, %sub3A_665, %div3A_644 : i32
      %add3A_667 = arith.constant 0 : i32
      %add3A_668 = arith.addi %select_n3A_666, %add3A_667 : i32
      %dma_wait3A_669 = arith.constant 0 : i32
      %dma_wait3A_670 = arith.constant 1 : i32
      %dma_wait3A_671 = arith.constant 0 : i32
      %dma_wait3A_672 = arith.constant 0 : i32
      %dma_wait3A_673 = tpu.memref_slice %arg6[%dma_wait3A_669, %dma_wait3A_670, %dma_wait3A_671, %dma_wait3A_672] : memref<2x2x200x64xf32, #tpu.memory_space<vmem>> -> memref<1x1x50x64xf32, #tpu.memory_space<vmem>>
      %dma_wait3A_674 = tpu.memref_squeeze %dma_wait3A_673 : memref<1x1x50x64xf32, #tpu.memory_space<vmem>> -> memref<50x64xf32, #tpu.memory_space<vmem>>
      %dma_wait3A_675 = arith.constant 0 : i32
      %dma_wait3A_676 = arith.constant 0 : i32
      %dma_wait3A_677 = tpu.memref_slice %arg4[%add3A_668, %dma_wait3A_675, %dma_wait3A_676] : memref<16384x56x128xf32, #tpu.memory_space<hbm>> -> memref<1x50x64xf32, #tpu.memory_space<hbm>>
      %dma_wait3A_678 = tpu.memref_squeeze %dma_wait3A_677 : memref<1x50x64xf32, #tpu.memory_space<hbm>> -> memref<50x64xf32, #tpu.memory_space<hbm>>
      %dma_wait3A_679 = arith.constant 0 : i32
      %dma_wait3A_680 = arith.constant 0 : i32
      %dma_wait3A_681 = tpu.memref_slice %arg4[%add3A_668, %dma_wait3A_679, %dma_wait3A_680] : memref<16384x56x128xf32, #tpu.memory_space<hbm>> -> memref<1x50x64xf32, #tpu.memory_space<hbm>>
      %dma_wait3A_682 = tpu.memref_squeeze %dma_wait3A_681 : memref<1x50x64xf32, #tpu.memory_space<hbm>> -> memref<50x64xf32, #tpu.memory_space<hbm>>
      %dma_wait3A_683 = arith.constant 0 : i32
      %dma_wait3A_684 = arith.constant 0 : i32
      %dma_wait3A_685 = tpu.memref_slice %arg6[%dma_wait3A_669, %dma_wait3A_670, %dma_wait3A_683, %dma_wait3A_684] : memref<2x2x200x64xf32, #tpu.memory_space<vmem>> -> memref<1x1x50x64xf32, #tpu.memory_space<vmem>>
      %dma_wait3A_686 = tpu.memref_squeeze %dma_wait3A_685 : memref<1x1x50x64xf32, #tpu.memory_space<vmem>> -> memref<50x64xf32, #tpu.memory_space<vmem>>
      tpu.wait_dma2 semaphore(%arg8 : memref<!tpu.dma_semaphore, #tpu.memory_space<semaphore_mem>>) src(%dma_wait3A_686 : memref<50x64xf32, #tpu.memory_space<vmem>>) dst(%dma_wait3A_682 : memref<50x64xf32, #tpu.memory_space<hbm>>)
      %add3A_687 = arith.addi %mul3A_2, %mul3A_641 : i32
      %jit3A_688 = arith.constant 50 : i32
      %div3A_689 = arith.divsi %add3A_687, %jit3A_688 : i32
      %sign3A_690 = arith.constant 0 : i32
      %sign3A_691 = arith.cmpi sgt, %add3A_687, %sign3A_690 : i32
      %sign3A_692 = arith.extui %sign3A_691 : i1 to i32
      %sign3A_693 = arith.constant 0 : i32
      %sign3A_694 = arith.cmpi slt, %add3A_687, %sign3A_693 : i32
      %sign3A_695 = arith.extui %sign3A_694 : i1 to i32
      %sign3A_696 = arith.subi %sign3A_692, %sign3A_695 : i32
      %sign3A_697 = arith.constant 0 : i32
      %sign3A_698 = arith.cmpi sgt, %jit3A_688, %sign3A_697 : i32
      %sign3A_699 = arith.extui %sign3A_698 : i1 to i32
      %sign3A_700 = arith.constant 0 : i32
      %sign3A_701 = arith.cmpi slt, %jit3A_688, %sign3A_700 : i32
      %sign3A_702 = arith.extui %sign3A_701 : i1 to i32
      %sign3A_703 = arith.subi %sign3A_699, %sign3A_702 : i32
      %ne3A_704 = arith.cmpi ne, %sign3A_696, %sign3A_703 : i32
      %rem3A_705 = arith.remsi %add3A_687, %jit3A_688 : i32
      %ne3A_706 = arith.constant 0 : i32
      %ne3A_707 = arith.cmpi ne, %rem3A_705, %ne3A_706 : i32
      %and3A_708 = arith.andi %ne3A_704, %ne3A_707 : i1
      %sub3A_709 = arith.constant 1 : i32
      %sub3A_710 = arith.subi %div3A_689, %sub3A_709 : i32
      %select_n3A_711 = arith.select %and3A_708, %sub3A_710, %div3A_689 : i32
      %add3A_712 = arith.constant 1 : i32
      %add3A_713 = arith.addi %select_n3A_711, %add3A_712 : i32
      %dma_wait3A_714 = arith.constant 0 : i32
      %dma_wait3A_715 = arith.constant 1 : i32
      %dma_wait3A_716 = arith.constant 50 : i32
      %dma_wait3A_717 = arith.constant 0 : i32
      %dma_wait3A_718 = tpu.memref_slice %arg6[%dma_wait3A_714, %dma_wait3A_715, %dma_wait3A_716, %dma_wait3A_717] : memref<2x2x200x64xf32, #tpu.memory_space<vmem>> -> memref<1x1x50x64xf32, #tpu.memory_space<vmem>>
      %dma_wait3A_719 = tpu.memref_squeeze %dma_wait3A_718 : memref<1x1x50x64xf32, #tpu.memory_space<vmem>> -> memref<50x64xf32, #tpu.memory_space<vmem>>
      %dma_wait3A_720 = arith.constant 0 : i32
      %dma_wait3A_721 = arith.constant 0 : i32
      %dma_wait3A_722 = tpu.memref_slice %arg4[%add3A_713, %dma_wait3A_720, %dma_wait3A_721] : memref<16384x56x128xf32, #tpu.memory_space<hbm>> -> memref<1x50x64xf32, #tpu.memory_space<hbm>>
      %dma_wait3A_723 = tpu.memref_squeeze %dma_wait3A_722 : memref<1x50x64xf32, #tpu.memory_space<hbm>> -> memref<50x64xf32, #tpu.memory_space<hbm>>
      %dma_wait3A_724 = arith.constant 0 : i32
      %dma_wait3A_725 = arith.constant 0 : i32
      %dma_wait3A_726 = tpu.memref_slice %arg4[%add3A_713, %dma_wait3A_724, %dma_wait3A_725] : memref<16384x56x128xf32, #tpu.memory_space<hbm>> -> memref<1x50x64xf32, #tpu.memory_space<hbm>>
      %dma_wait3A_727 = tpu.memref_squeeze %dma_wait3A_726 : memref<1x50x64xf32, #tpu.memory_space<hbm>> -> memref<50x64xf32, #tpu.memory_space<hbm>>
      %dma_wait3A_728 = arith.constant 50 : i32
      %dma_wait3A_729 = arith.constant 0 : i32
      %dma_wait3A_730 = tpu.memref_slice %arg6[%dma_wait3A_714, %dma_wait3A_715, %dma_wait3A_728, %dma_wait3A_729] : memref<2x2x200x64xf32, #tpu.memory_space<vmem>> -> memref<1x1x50x64xf32, #tpu.memory_space<vmem>>
      %dma_wait3A_731 = tpu.memref_squeeze %dma_wait3A_730 : memref<1x1x50x64xf32, #tpu.memory_space<vmem>> -> memref<50x64xf32, #tpu.memory_space<vmem>>
      tpu.wait_dma2 semaphore(%arg8 : memref<!tpu.dma_semaphore, #tpu.memory_space<semaphore_mem>>) src(%dma_wait3A_731 : memref<50x64xf32, #tpu.memory_space<vmem>>) dst(%dma_wait3A_727 : memref<50x64xf32, #tpu.memory_space<hbm>>)
      %add3A_732 = arith.addi %mul3A_2, %mul3A_641 : i32
      %jit3A_733 = arith.constant 50 : i32
      %div3A_734 = arith.divsi %add3A_732, %jit3A_733 : i32
      %sign3A_735 = arith.constant 0 : i32
      %sign3A_736 = arith.cmpi sgt, %add3A_732, %sign3A_735 : i32
      %sign3A_737 = arith.extui %sign3A_736 : i1 to i32
      %sign3A_738 = arith.constant 0 : i32
      %sign3A_739 = arith.cmpi slt, %add3A_732, %sign3A_738 : i32
      %sign3A_740 = arith.extui %sign3A_739 : i1 to i32
      %sign3A_741 = arith.subi %sign3A_737, %sign3A_740 : i32
      %sign3A_742 = arith.constant 0 : i32
      %sign3A_743 = arith.cmpi sgt, %jit3A_733, %sign3A_742 : i32
      %sign3A_744 = arith.extui %sign3A_743 : i1 to i32
      %sign3A_745 = arith.constant 0 : i32
      %sign3A_746 = arith.cmpi slt, %jit3A_733, %sign3A_745 : i32
      %sign3A_747 = arith.extui %sign3A_746 : i1 to i32
      %sign3A_748 = arith.subi %sign3A_744, %sign3A_747 : i32
      %ne3A_749 = arith.cmpi ne, %sign3A_741, %sign3A_748 : i32
      %rem3A_750 = arith.remsi %add3A_732, %jit3A_733 : i32
      %ne3A_751 = arith.constant 0 : i32
      %ne3A_752 = arith.cmpi ne, %rem3A_750, %ne3A_751 : i32
      %and3A_753 = arith.andi %ne3A_749, %ne3A_752 : i1
      %sub3A_754 = arith.constant 1 : i32
      %sub3A_755 = arith.subi %div3A_734, %sub3A_754 : i32
      %select_n3A_756 = arith.select %and3A_753, %sub3A_755, %div3A_734 : i32
      %add3A_757 = arith.constant 2 : i32
      %add3A_758 = arith.addi %select_n3A_756, %add3A_757 : i32
      %dma_wait3A_759 = arith.constant 0 : i32
      %dma_wait3A_760 = arith.constant 1 : i32
      %dma_wait3A_761 = arith.constant 100 : i32
      %dma_wait3A_762 = arith.constant 0 : i32
      %dma_wait3A_763 = tpu.memref_slice %arg6[%dma_wait3A_759, %dma_wait3A_760, %dma_wait3A_761, %dma_wait3A_762] : memref<2x2x200x64xf32, #tpu.memory_space<vmem>> -> memref<1x1x50x64xf32, #tpu.memory_space<vmem>>
      %dma_wait3A_764 = tpu.memref_squeeze %dma_wait3A_763 : memref<1x1x50x64xf32, #tpu.memory_space<vmem>> -> memref<50x64xf32, #tpu.memory_space<vmem>>
      %dma_wait3A_765 = arith.constant 0 : i32
      %dma_wait3A_766 = arith.constant 0 : i32
      %dma_wait3A_767 = tpu.memref_slice %arg4[%add3A_758, %dma_wait3A_765, %dma_wait3A_766] : memref<16384x56x128xf32, #tpu.memory_space<hbm>> -> memref<1x50x64xf32, #tpu.memory_space<hbm>>
      %dma_wait3A_768 = tpu.memref_squeeze %dma_wait3A_767 : memref<1x50x64xf32, #tpu.memory_space<hbm>> -> memref<50x64xf32, #tpu.memory_space<hbm>>
      %dma_wait3A_769 = arith.constant 0 : i32
      %dma_wait3A_770 = arith.constant 0 : i32
      %dma_wait3A_771 = tpu.memref_slice %arg4[%add3A_758, %dma_wait3A_769, %dma_wait3A_770] : memref<16384x56x128xf32, #tpu.memory_space<hbm>> -> memref<1x50x64xf32, #tpu.memory_space<hbm>>
      %dma_wait3A_772 = tpu.memref_squeeze %dma_wait3A_771 : memref<1x50x64xf32, #tpu.memory_space<hbm>> -> memref<50x64xf32, #tpu.memory_space<hbm>>
      %dma_wait3A_773 = arith.constant 100 : i32
      %dma_wait3A_774 = arith.constant 0 : i32
      %dma_wait3A_775 = tpu.memref_slice %arg6[%dma_wait3A_759, %dma_wait3A_760, %dma_wait3A_773, %dma_wait3A_774] : memref<2x2x200x64xf32, #tpu.memory_space<vmem>> -> memref<1x1x50x64xf32, #tpu.memory_space<vmem>>
      %dma_wait3A_776 = tpu.memref_squeeze %dma_wait3A_775 : memref<1x1x50x64xf32, #tpu.memory_space<vmem>> -> memref<50x64xf32, #tpu.memory_space<vmem>>
      tpu.wait_dma2 semaphore(%arg8 : memref<!tpu.dma_semaphore, #tpu.memory_space<semaphore_mem>>) src(%dma_wait3A_776 : memref<50x64xf32, #tpu.memory_space<vmem>>) dst(%dma_wait3A_772 : memref<50x64xf32, #tpu.memory_space<hbm>>)
      %add3A_777 = arith.addi %mul3A_2, %mul3A_641 : i32
      %jit3A_778 = arith.constant 50 : i32
      %div3A_779 = arith.divsi %add3A_777, %jit3A_778 : i32
      %sign3A_780 = arith.constant 0 : i32
      %sign3A_781 = arith.cmpi sgt, %add3A_777, %sign3A_780 : i32
      %sign3A_782 = arith.extui %sign3A_781 : i1 to i32
      %sign3A_783 = arith.constant 0 : i32
      %sign3A_784 = arith.cmpi slt, %add3A_777, %sign3A_783 : i32
      %sign3A_785 = arith.extui %sign3A_784 : i1 to i32
      %sign3A_786 = arith.subi %sign3A_782, %sign3A_785 : i32
      %sign3A_787 = arith.constant 0 : i32
      %sign3A_788 = arith.cmpi sgt, %jit3A_778, %sign3A_787 : i32
      %sign3A_789 = arith.extui %sign3A_788 : i1 to i32
      %sign3A_790 = arith.constant 0 : i32
      %sign3A_791 = arith.cmpi slt, %jit3A_778, %sign3A_790 : i32
      %sign3A_792 = arith.extui %sign3A_791 : i1 to i32
      %sign3A_793 = arith.subi %sign3A_789, %sign3A_792 : i32
      %ne3A_794 = arith.cmpi ne, %sign3A_786, %sign3A_793 : i32
      %rem3A_795 = arith.remsi %add3A_777, %jit3A_778 : i32
      %ne3A_796 = arith.constant 0 : i32
      %ne3A_797 = arith.cmpi ne, %rem3A_795, %ne3A_796 : i32
      %and3A_798 = arith.andi %ne3A_794, %ne3A_797 : i1
      %sub3A_799 = arith.constant 1 : i32
      %sub3A_800 = arith.subi %div3A_779, %sub3A_799 : i32
      %select_n3A_801 = arith.select %and3A_798, %sub3A_800, %div3A_779 : i32
      %add3A_802 = arith.constant 3 : i32
      %add3A_803 = arith.addi %select_n3A_801, %add3A_802 : i32
      %dma_wait3A_804 = arith.constant 0 : i32
      %dma_wait3A_805 = arith.constant 1 : i32
      %dma_wait3A_806 = arith.constant 150 : i32
      %dma_wait3A_807 = arith.constant 0 : i32
      %dma_wait3A_808 = tpu.memref_slice %arg6[%dma_wait3A_804, %dma_wait3A_805, %dma_wait3A_806, %dma_wait3A_807] : memref<2x2x200x64xf32, #tpu.memory_space<vmem>> -> memref<1x1x50x64xf32, #tpu.memory_space<vmem>>
      %dma_wait3A_809 = tpu.memref_squeeze %dma_wait3A_808 : memref<1x1x50x64xf32, #tpu.memory_space<vmem>> -> memref<50x64xf32, #tpu.memory_space<vmem>>
      %dma_wait3A_810 = arith.constant 0 : i32
      %dma_wait3A_811 = arith.constant 0 : i32
      %dma_wait3A_812 = tpu.memref_slice %arg4[%add3A_803, %dma_wait3A_810, %dma_wait3A_811] : memref<16384x56x128xf32, #tpu.memory_space<hbm>> -> memref<1x50x64xf32, #tpu.memory_space<hbm>>
      %dma_wait3A_813 = tpu.memref_squeeze %dma_wait3A_812 : memref<1x50x64xf32, #tpu.memory_space<hbm>> -> memref<50x64xf32, #tpu.memory_space<hbm>>
      %dma_wait3A_814 = arith.constant 0 : i32
      %dma_wait3A_815 = arith.constant 0 : i32
      %dma_wait3A_816 = tpu.memref_slice %arg4[%add3A_803, %dma_wait3A_814, %dma_wait3A_815] : memref<16384x56x128xf32, #tpu.memory_space<hbm>> -> memref<1x50x64xf32, #tpu.memory_space<hbm>>
      %dma_wait3A_817 = tpu.memref_squeeze %dma_wait3A_816 : memref<1x50x64xf32, #tpu.memory_space<hbm>> -> memref<50x64xf32, #tpu.memory_space<hbm>>
      %dma_wait3A_818 = arith.constant 150 : i32
      %dma_wait3A_819 = arith.constant 0 : i32
      %dma_wait3A_820 = tpu.memref_slice %arg6[%dma_wait3A_804, %dma_wait3A_805, %dma_wait3A_818, %dma_wait3A_819] : memref<2x2x200x64xf32, #tpu.memory_space<vmem>> -> memref<1x1x50x64xf32, #tpu.memory_space<vmem>>
      %dma_wait3A_821 = tpu.memref_squeeze %dma_wait3A_820 : memref<1x1x50x64xf32, #tpu.memory_space<vmem>> -> memref<50x64xf32, #tpu.memory_space<vmem>>
      tpu.wait_dma2 semaphore(%arg8 : memref<!tpu.dma_semaphore, #tpu.memory_space<semaphore_mem>>) src(%dma_wait3A_821 : memref<50x64xf32, #tpu.memory_space<vmem>>) dst(%dma_wait3A_817 : memref<50x64xf32, #tpu.memory_space<hbm>>)
      %add3A_822 = arith.constant 2 : i32
      %add3A_823 = arith.addi %add3A_54, %add3A_822 : i32
      %lt3A = arith.constant 64 : i32
      %lt3A_824 = arith.cmpi slt, %add3A_823, %lt3A : i32
      %convert_element_type3A = arith.extui %lt3A_824 : i1 to i32
      %cond3A = arith.constant 0 : i32
      %cond3A_825 = arith.cmpi ne, %convert_element_type3A, %cond3A : i32
      scf.if %cond3A_825 {
        %add3A_1613 = arith.constant 2 : i32
        %add3A_1614 = arith.addi %add3A_54, %add3A_1613 : i32
        %mul3A_1615 = arith.constant 2 : i32
        %mul3A_1616 = arith.muli %add3A_1614, %mul3A_1615 : i32
        %add3A_1617 = arith.constant 0 : i32
        %add3A_1618 = arith.addi %mul3A_1616, %add3A_1617 : i32
        %mul3A_1619 = arith.constant 200 : i32
        %mul3A_1620 = arith.muli %add3A_1618, %mul3A_1619 : i32
        %dma_start3A_1621 = arith.constant 0 : i32
        %dma_start3A_1622 = arith.constant 0 : i32
        %dma_start3A_1623 = arith.constant 0 : i32
        %dma_start3A_1624 = arith.constant 0 : i32
        %dma_start3A_1625 = tpu.memref_slice %arg6[%dma_start3A_1621, %dma_start3A_1622, %dma_start3A_1623, %dma_start3A_1624] : memref<2x2x200x64xf32, #tpu.memory_space<vmem>> -> memref<1x1x200x64xf32, #tpu.memory_space<vmem>>
        %dma_start3A_1626 = tpu.memref_squeeze %dma_start3A_1625 : memref<1x1x200x64xf32, #tpu.memory_space<vmem>> -> memref<200x64xf32, #tpu.memory_space<vmem>>
        %dma_start3A_1627 = tpu.memref_slice %arg5[%mul3A_1620] : memref<25600xi32, #tpu.memory_space<vmem>> -> memref<200xi32, #tpu.memory_space<vmem>>
        %dma_start3A_1628 = arith.constant 0 : i32
        %dma_start3A_1629 = arith.constant 0 : i32
        %dma_start3A_1630 = tpu.memref_slice %arg2[%dma_start3A_1628, %dma_start3A_1629] : memref<2000000x64xf32, #tpu.memory_space<hbm>> -> memref<2000000x64xf32, #tpu.memory_space<hbm>>
        tpu.enqueue_indirect_dma source(%dma_start3A_1630 : memref<2000000x64xf32, #tpu.memory_space<hbm>>) target(%dma_start3A_1626 : memref<200x64xf32, #tpu.memory_space<vmem>>) offsets(%dma_start3A_1627 : memref<200xi32, #tpu.memory_space<vmem>>) semaphore(%arg7 : memref<!tpu.dma_semaphore, #tpu.memory_space<semaphore_mem>>)
        %mul3A_1631 = arith.constant 2 : i32
        %mul3A_1632 = arith.muli %add3A_1614, %mul3A_1631 : i32
        %add3A_1633 = arith.constant 1 : i32
        %add3A_1634 = arith.addi %mul3A_1632, %add3A_1633 : i32
        %mul3A_1635 = arith.constant 200 : i32
        %mul3A_1636 = arith.muli %add3A_1634, %mul3A_1635 : i32
        %dma_start3A_1637 = arith.constant 0 : i32
        %dma_start3A_1638 = arith.constant 1 : i32
        %dma_start3A_1639 = arith.constant 0 : i32
        %dma_start3A_1640 = arith.constant 0 : i32
        %dma_start3A_1641 = tpu.memref_slice %arg6[%dma_start3A_1637, %dma_start3A_1638, %dma_start3A_1639, %dma_start3A_1640] : memref<2x2x200x64xf32, #tpu.memory_space<vmem>> -> memref<1x1x200x64xf32, #tpu.memory_space<vmem>>
        %dma_start3A_1642 = tpu.memref_squeeze %dma_start3A_1641 : memref<1x1x200x64xf32, #tpu.memory_space<vmem>> -> memref<200x64xf32, #tpu.memory_space<vmem>>
        %dma_start3A_1643 = tpu.memref_slice %arg5[%mul3A_1636] : memref<25600xi32, #tpu.memory_space<vmem>> -> memref<200xi32, #tpu.memory_space<vmem>>
        %dma_start3A_1644 = arith.constant 0 : i32
        %dma_start3A_1645 = arith.constant 0 : i32
        %dma_start3A_1646 = tpu.memref_slice %arg2[%dma_start3A_1644, %dma_start3A_1645] : memref<2000000x64xf32, #tpu.memory_space<hbm>> -> memref<2000000x64xf32, #tpu.memory_space<hbm>>
        tpu.enqueue_indirect_dma source(%dma_start3A_1646 : memref<2000000x64xf32, #tpu.memory_space<hbm>>) target(%dma_start3A_1642 : memref<200x64xf32, #tpu.memory_space<vmem>>) offsets(%dma_start3A_1643 : memref<200xi32, #tpu.memory_space<vmem>>) semaphore(%arg7 : memref<!tpu.dma_semaphore, #tpu.memory_space<semaphore_mem>>)
      } else {
      }
      %dma_wait3A_826 = arith.constant 1 : i32
      %dma_wait3A_827 = arith.constant 0 : i32
      %dma_wait3A_828 = arith.constant 0 : i32
      %dma_wait3A_829 = arith.constant 0 : i32
      %dma_wait3A_830 = tpu.memref_slice %arg6[%dma_wait3A_826, %dma_wait3A_827, %dma_wait3A_828, %dma_wait3A_829] : memref<2x2x200x64xf32, #tpu.memory_space<vmem>> -> memref<1x1x200x64xf32, #tpu.memory_space<vmem>>
      %dma_wait3A_831 = tpu.memref_squeeze %dma_wait3A_830 : memref<1x1x200x64xf32, #tpu.memory_space<vmem>> -> memref<200x64xf32, #tpu.memory_space<vmem>>
      %dma_wait3A_832 = arith.constant 0 : i32
      %dma_wait3A_833 = arith.constant 0 : i32
      %dma_wait3A_834 = tpu.memref_slice %arg2[%dma_wait3A_832, %dma_wait3A_833] : memref<2000000x64xf32, #tpu.memory_space<hbm>> -> memref<200x64xf32, #tpu.memory_space<hbm>>
      %dma_wait3A_835 = arith.constant 0 : i32
      %dma_wait3A_836 = arith.constant 0 : i32
      %dma_wait3A_837 = tpu.memref_slice %arg6[%dma_wait3A_826, %dma_wait3A_827, %dma_wait3A_835, %dma_wait3A_836] : memref<2x2x200x64xf32, #tpu.memory_space<vmem>> -> memref<1x1x200x64xf32, #tpu.memory_space<vmem>>
      %dma_wait3A_838 = tpu.memref_squeeze %dma_wait3A_837 : memref<1x1x200x64xf32, #tpu.memory_space<vmem>> -> memref<200x64xf32, #tpu.memory_space<vmem>>
      %dma_wait3A_839 = arith.constant 0 : i32
      %dma_wait3A_840 = arith.constant 0 : i32
      %dma_wait3A_841 = tpu.memref_slice %arg2[%dma_wait3A_839, %dma_wait3A_840] : memref<2000000x64xf32, #tpu.memory_space<hbm>> -> memref<200x64xf32, #tpu.memory_space<hbm>>
      tpu.wait_dma2 semaphore(%arg9 : memref<!tpu.dma_semaphore, #tpu.memory_space<semaphore_mem>>) src(%dma_wait3A_841 : memref<200x64xf32, #tpu.memory_space<hbm>>) dst(%dma_wait3A_838 : memref<200x64xf32, #tpu.memory_space<vmem>>)
      %dma_wait3A_842 = arith.constant 1 : i32
      %dma_wait3A_843 = arith.constant 1 : i32
      %dma_wait3A_844 = arith.constant 0 : i32
      %dma_wait3A_845 = arith.constant 0 : i32
      %dma_wait3A_846 = tpu.memref_slice %arg6[%dma_wait3A_842, %dma_wait3A_843, %dma_wait3A_844, %dma_wait3A_845] : memref<2x2x200x64xf32, #tpu.memory_space<vmem>> -> memref<1x1x200x64xf32, #tpu.memory_space<vmem>>
      %dma_wait3A_847 = tpu.memref_squeeze %dma_wait3A_846 : memref<1x1x200x64xf32, #tpu.memory_space<vmem>> -> memref<200x64xf32, #tpu.memory_space<vmem>>
      %dma_wait3A_848 = arith.constant 0 : i32
      %dma_wait3A_849 = arith.constant 0 : i32
      %dma_wait3A_850 = tpu.memref_slice %arg2[%dma_wait3A_848, %dma_wait3A_849] : memref<2000000x64xf32, #tpu.memory_space<hbm>> -> memref<200x64xf32, #tpu.memory_space<hbm>>
      %dma_wait3A_851 = arith.constant 0 : i32
      %dma_wait3A_852 = arith.constant 0 : i32
      %dma_wait3A_853 = tpu.memref_slice %arg6[%dma_wait3A_842, %dma_wait3A_843, %dma_wait3A_851, %dma_wait3A_852] : memref<2x2x200x64xf32, #tpu.memory_space<vmem>> -> memref<1x1x200x64xf32, #tpu.memory_space<vmem>>
      %dma_wait3A_854 = tpu.memref_squeeze %dma_wait3A_853 : memref<1x1x200x64xf32, #tpu.memory_space<vmem>> -> memref<200x64xf32, #tpu.memory_space<vmem>>
      %dma_wait3A_855 = arith.constant 0 : i32
      %dma_wait3A_856 = arith.constant 0 : i32
      %dma_wait3A_857 = tpu.memref_slice %arg2[%dma_wait3A_855, %dma_wait3A_856] : memref<2000000x64xf32, #tpu.memory_space<hbm>> -> memref<200x64xf32, #tpu.memory_space<hbm>>
      tpu.wait_dma2 semaphore(%arg9 : memref<!tpu.dma_semaphore, #tpu.memory_space<semaphore_mem>>) src(%dma_wait3A_857 : memref<200x64xf32, #tpu.memory_space<hbm>>) dst(%dma_wait3A_854 : memref<200x64xf32, #tpu.memory_space<vmem>>)
      %add3A_858 = arith.constant 1 : i32
      %add3A_859 = arith.addi %add3A_54, %add3A_858 : i32
      %mul3A_860 = arith.constant 2 : i32
      %mul3A_861 = arith.muli %add3A_859, %mul3A_860 : i32
      %add3A_862 = arith.constant 0 : i32
      %add3A_863 = arith.addi %mul3A_861, %add3A_862 : i32
      %mul3A_864 = arith.constant 200 : i32
      %mul3A_865 = arith.muli %add3A_863, %mul3A_864 : i32
      %add3A_866 = arith.addi %mul3A_2, %mul3A_865 : i32
      %jit3A_867 = arith.constant 50 : i32
      %div3A_868 = arith.divsi %add3A_866, %jit3A_867 : i32
      %sign3A_869 = arith.constant 0 : i32
      %sign3A_870 = arith.cmpi sgt, %add3A_866, %sign3A_869 : i32
      %sign3A_871 = arith.extui %sign3A_870 : i1 to i32
      %sign3A_872 = arith.constant 0 : i32
      %sign3A_873 = arith.cmpi slt, %add3A_866, %sign3A_872 : i32
      %sign3A_874 = arith.extui %sign3A_873 : i1 to i32
      %sign3A_875 = arith.subi %sign3A_871, %sign3A_874 : i32
      %sign3A_876 = arith.constant 0 : i32
      %sign3A_877 = arith.cmpi sgt, %jit3A_867, %sign3A_876 : i32
      %sign3A_878 = arith.extui %sign3A_877 : i1 to i32
      %sign3A_879 = arith.constant 0 : i32
      %sign3A_880 = arith.cmpi slt, %jit3A_867, %sign3A_879 : i32
      %sign3A_881 = arith.extui %sign3A_880 : i1 to i32
      %sign3A_882 = arith.subi %sign3A_878, %sign3A_881 : i32
      %ne3A_883 = arith.cmpi ne, %sign3A_875, %sign3A_882 : i32
      %rem3A_884 = arith.remsi %add3A_866, %jit3A_867 : i32
      %ne3A_885 = arith.constant 0 : i32
      %ne3A_886 = arith.cmpi ne, %rem3A_884, %ne3A_885 : i32
      %and3A_887 = arith.andi %ne3A_883, %ne3A_886 : i1
      %sub3A_888 = arith.constant 1 : i32
      %sub3A_889 = arith.subi %div3A_868, %sub3A_888 : i32
      %select_n3A_890 = arith.select %and3A_887, %sub3A_889, %div3A_868 : i32
      %add3A_891 = arith.constant 0 : i32
      %add3A_892 = arith.addi %select_n3A_890, %add3A_891 : i32
      %dma_start3A_893 = arith.constant 1 : i32
      %dma_start3A_894 = arith.constant 0 : i32
      %dma_start3A_895 = arith.constant 0 : i32
      %dma_start3A_896 = arith.constant 0 : i32
      %dma_start3A_897 = tpu.memref_slice %arg6[%dma_start3A_893, %dma_start3A_894, %dma_start3A_895, %dma_start3A_896] : memref<2x2x200x64xf32, #tpu.memory_space<vmem>> -> memref<1x1x50x64xf32, #tpu.memory_space<vmem>>
      %dma_start3A_898 = tpu.memref_squeeze %dma_start3A_897 : memref<1x1x50x64xf32, #tpu.memory_space<vmem>> -> memref<50x64xf32, #tpu.memory_space<vmem>>
      %dma_start3A_899 = arith.constant 0 : i32
      %dma_start3A_900 = arith.constant 0 : i32
      %dma_start3A_901 = tpu.memref_slice %arg4[%add3A_892, %dma_start3A_899, %dma_start3A_900] : memref<16384x56x128xf32, #tpu.memory_space<hbm>> -> memref<1x50x64xf32, #tpu.memory_space<hbm>>
      %dma_start3A_902 = tpu.memref_squeeze %dma_start3A_901 : memref<1x50x64xf32, #tpu.memory_space<hbm>> -> memref<50x64xf32, #tpu.memory_space<hbm>>
      %dma_start3A_903 = arith.constant 0 : i32
      %dma_start3A_904 = arith.constant 0 : i32
      %dma_start3A_905 = tpu.memref_slice %arg4[%add3A_892, %dma_start3A_903, %dma_start3A_904] : memref<16384x56x128xf32, #tpu.memory_space<hbm>> -> memref<1x50x64xf32, #tpu.memory_space<hbm>>
      %dma_start3A_906 = tpu.memref_squeeze %dma_start3A_905 : memref<1x50x64xf32, #tpu.memory_space<hbm>> -> memref<50x64xf32, #tpu.memory_space<hbm>>
      %dma_start3A_907 = arith.constant 0 : i32
      %dma_start3A_908 = arith.constant 0 : i32
      %dma_start3A_909 = tpu.memref_slice %arg6[%dma_start3A_893, %dma_start3A_894, %dma_start3A_907, %dma_start3A_908] : memref<2x2x200x64xf32, #tpu.memory_space<vmem>> -> memref<1x1x50x64xf32, #tpu.memory_space<vmem>>
      %dma_start3A_910 = tpu.memref_squeeze %dma_start3A_909 : memref<1x1x50x64xf32, #tpu.memory_space<vmem>> -> memref<50x64xf32, #tpu.memory_space<vmem>>
      tpu.enqueue_dma source(%dma_start3A_910 : memref<50x64xf32, #tpu.memory_space<vmem>>) target(%dma_start3A_906 : memref<50x64xf32, #tpu.memory_space<hbm>>) target_semaphore(%arg10 : memref<!tpu.dma_semaphore, #tpu.memory_space<semaphore_mem>>)
      %add3A_911 = arith.addi %mul3A_2, %mul3A_865 : i32
      %jit3A_912 = arith.constant 50 : i32
      %div3A_913 = arith.divsi %add3A_911, %jit3A_912 : i32
      %sign3A_914 = arith.constant 0 : i32
      %sign3A_915 = arith.cmpi sgt, %add3A_911, %sign3A_914 : i32
      %sign3A_916 = arith.extui %sign3A_915 : i1 to i32
      %sign3A_917 = arith.constant 0 : i32
      %sign3A_918 = arith.cmpi slt, %add3A_911, %sign3A_917 : i32
      %sign3A_919 = arith.extui %sign3A_918 : i1 to i32
      %sign3A_920 = arith.subi %sign3A_916, %sign3A_919 : i32
      %sign3A_921 = arith.constant 0 : i32
      %sign3A_922 = arith.cmpi sgt, %jit3A_912, %sign3A_921 : i32
      %sign3A_923 = arith.extui %sign3A_922 : i1 to i32
      %sign3A_924 = arith.constant 0 : i32
      %sign3A_925 = arith.cmpi slt, %jit3A_912, %sign3A_924 : i32
      %sign3A_926 = arith.extui %sign3A_925 : i1 to i32
      %sign3A_927 = arith.subi %sign3A_923, %sign3A_926 : i32
      %ne3A_928 = arith.cmpi ne, %sign3A_920, %sign3A_927 : i32
      %rem3A_929 = arith.remsi %add3A_911, %jit3A_912 : i32
      %ne3A_930 = arith.constant 0 : i32
      %ne3A_931 = arith.cmpi ne, %rem3A_929, %ne3A_930 : i32
      %and3A_932 = arith.andi %ne3A_928, %ne3A_931 : i1
      %sub3A_933 = arith.constant 1 : i32
      %sub3A_934 = arith.subi %div3A_913, %sub3A_933 : i32
      %select_n3A_935 = arith.select %and3A_932, %sub3A_934, %div3A_913 : i32
      %add3A_936 = arith.constant 1 : i32
      %add3A_937 = arith.addi %select_n3A_935, %add3A_936 : i32
      %dma_start3A_938 = arith.constant 1 : i32
      %dma_start3A_939 = arith.constant 0 : i32
      %dma_start3A_940 = arith.constant 50 : i32
      %dma_start3A_941 = arith.constant 0 : i32
      %dma_start3A_942 = tpu.memref_slice %arg6[%dma_start3A_938, %dma_start3A_939, %dma_start3A_940, %dma_start3A_941] : memref<2x2x200x64xf32, #tpu.memory_space<vmem>> -> memref<1x1x50x64xf32, #tpu.memory_space<vmem>>
      %dma_start3A_943 = tpu.memref_squeeze %dma_start3A_942 : memref<1x1x50x64xf32, #tpu.memory_space<vmem>> -> memref<50x64xf32, #tpu.memory_space<vmem>>
      %dma_start3A_944 = arith.constant 0 : i32
      %dma_start3A_945 = arith.constant 0 : i32
      %dma_start3A_946 = tpu.memref_slice %arg4[%add3A_937, %dma_start3A_944, %dma_start3A_945] : memref<16384x56x128xf32, #tpu.memory_space<hbm>> -> memref<1x50x64xf32, #tpu.memory_space<hbm>>
      %dma_start3A_947 = tpu.memref_squeeze %dma_start3A_946 : memref<1x50x64xf32, #tpu.memory_space<hbm>> -> memref<50x64xf32, #tpu.memory_space<hbm>>
      %dma_start3A_948 = arith.constant 0 : i32
      %dma_start3A_949 = arith.constant 0 : i32
      %dma_start3A_950 = tpu.memref_slice %arg4[%add3A_937, %dma_start3A_948, %dma_start3A_949] : memref<16384x56x128xf32, #tpu.memory_space<hbm>> -> memref<1x50x64xf32, #tpu.memory_space<hbm>>
      %dma_start3A_951 = tpu.memref_squeeze %dma_start3A_950 : memref<1x50x64xf32, #tpu.memory_space<hbm>> -> memref<50x64xf32, #tpu.memory_space<hbm>>
      %dma_start3A_952 = arith.constant 50 : i32
      %dma_start3A_953 = arith.constant 0 : i32
      %dma_start3A_954 = tpu.memref_slice %arg6[%dma_start3A_938, %dma_start3A_939, %dma_start3A_952, %dma_start3A_953] : memref<2x2x200x64xf32, #tpu.memory_space<vmem>> -> memref<1x1x50x64xf32, #tpu.memory_space<vmem>>
      %dma_start3A_955 = tpu.memref_squeeze %dma_start3A_954 : memref<1x1x50x64xf32, #tpu.memory_space<vmem>> -> memref<50x64xf32, #tpu.memory_space<vmem>>
      tpu.enqueue_dma source(%dma_start3A_955 : memref<50x64xf32, #tpu.memory_space<vmem>>) target(%dma_start3A_951 : memref<50x64xf32, #tpu.memory_space<hbm>>) target_semaphore(%arg10 : memref<!tpu.dma_semaphore, #tpu.memory_space<semaphore_mem>>)
      %add3A_956 = arith.addi %mul3A_2, %mul3A_865 : i32
      %jit3A_957 = arith.constant 50 : i32
      %div3A_958 = arith.divsi %add3A_956, %jit3A_957 : i32
      %sign3A_959 = arith.constant 0 : i32
      %sign3A_960 = arith.cmpi sgt, %add3A_956, %sign3A_959 : i32
      %sign3A_961 = arith.extui %sign3A_960 : i1 to i32
      %sign3A_962 = arith.constant 0 : i32
      %sign3A_963 = arith.cmpi slt, %add3A_956, %sign3A_962 : i32
      %sign3A_964 = arith.extui %sign3A_963 : i1 to i32
      %sign3A_965 = arith.subi %sign3A_961, %sign3A_964 : i32
      %sign3A_966 = arith.constant 0 : i32
      %sign3A_967 = arith.cmpi sgt, %jit3A_957, %sign3A_966 : i32
      %sign3A_968 = arith.extui %sign3A_967 : i1 to i32
      %sign3A_969 = arith.constant 0 : i32
      %sign3A_970 = arith.cmpi slt, %jit3A_957, %sign3A_969 : i32
      %sign3A_971 = arith.extui %sign3A_970 : i1 to i32
      %sign3A_972 = arith.subi %sign3A_968, %sign3A_971 : i32
      %ne3A_973 = arith.cmpi ne, %sign3A_965, %sign3A_972 : i32
      %rem3A_974 = arith.remsi %add3A_956, %jit3A_957 : i32
      %ne3A_975 = arith.constant 0 : i32
      %ne3A_976 = arith.cmpi ne, %rem3A_974, %ne3A_975 : i32
      %and3A_977 = arith.andi %ne3A_973, %ne3A_976 : i1
      %sub3A_978 = arith.constant 1 : i32
      %sub3A_979 = arith.subi %div3A_958, %sub3A_978 : i32
      %select_n3A_980 = arith.select %and3A_977, %sub3A_979, %div3A_958 : i32
      %add3A_981 = arith.constant 2 : i32
      %add3A_982 = arith.addi %select_n3A_980, %add3A_981 : i32
      %dma_start3A_983 = arith.constant 1 : i32
      %dma_start3A_984 = arith.constant 0 : i32
      %dma_start3A_985 = arith.constant 100 : i32
      %dma_start3A_986 = arith.constant 0 : i32
      %dma_start3A_987 = tpu.memref_slice %arg6[%dma_start3A_983, %dma_start3A_984, %dma_start3A_985, %dma_start3A_986] : memref<2x2x200x64xf32, #tpu.memory_space<vmem>> -> memref<1x1x50x64xf32, #tpu.memory_space<vmem>>
      %dma_start3A_988 = tpu.memref_squeeze %dma_start3A_987 : memref<1x1x50x64xf32, #tpu.memory_space<vmem>> -> memref<50x64xf32, #tpu.memory_space<vmem>>
      %dma_start3A_989 = arith.constant 0 : i32
      %dma_start3A_990 = arith.constant 0 : i32
      %dma_start3A_991 = tpu.memref_slice %arg4[%add3A_982, %dma_start3A_989, %dma_start3A_990] : memref<16384x56x128xf32, #tpu.memory_space<hbm>> -> memref<1x50x64xf32, #tpu.memory_space<hbm>>
      %dma_start3A_992 = tpu.memref_squeeze %dma_start3A_991 : memref<1x50x64xf32, #tpu.memory_space<hbm>> -> memref<50x64xf32, #tpu.memory_space<hbm>>
      %dma_start3A_993 = arith.constant 0 : i32
      %dma_start3A_994 = arith.constant 0 : i32
      %dma_start3A_995 = tpu.memref_slice %arg4[%add3A_982, %dma_start3A_993, %dma_start3A_994] : memref<16384x56x128xf32, #tpu.memory_space<hbm>> -> memref<1x50x64xf32, #tpu.memory_space<hbm>>
      %dma_start3A_996 = tpu.memref_squeeze %dma_start3A_995 : memref<1x50x64xf32, #tpu.memory_space<hbm>> -> memref<50x64xf32, #tpu.memory_space<hbm>>
      %dma_start3A_997 = arith.constant 100 : i32
      %dma_start3A_998 = arith.constant 0 : i32
      %dma_start3A_999 = tpu.memref_slice %arg6[%dma_start3A_983, %dma_start3A_984, %dma_start3A_997, %dma_start3A_998] : memref<2x2x200x64xf32, #tpu.memory_space<vmem>> -> memref<1x1x50x64xf32, #tpu.memory_space<vmem>>
      %dma_start3A_1000 = tpu.memref_squeeze %dma_start3A_999 : memref<1x1x50x64xf32, #tpu.memory_space<vmem>> -> memref<50x64xf32, #tpu.memory_space<vmem>>
      tpu.enqueue_dma source(%dma_start3A_1000 : memref<50x64xf32, #tpu.memory_space<vmem>>) target(%dma_start3A_996 : memref<50x64xf32, #tpu.memory_space<hbm>>) target_semaphore(%arg10 : memref<!tpu.dma_semaphore, #tpu.memory_space<semaphore_mem>>)
      %add3A_1001 = arith.addi %mul3A_2, %mul3A_865 : i32
      %jit3A_1002 = arith.constant 50 : i32
      %div3A_1003 = arith.divsi %add3A_1001, %jit3A_1002 : i32
      %sign3A_1004 = arith.constant 0 : i32
      %sign3A_1005 = arith.cmpi sgt, %add3A_1001, %sign3A_1004 : i32
      %sign3A_1006 = arith.extui %sign3A_1005 : i1 to i32
      %sign3A_1007 = arith.constant 0 : i32
      %sign3A_1008 = arith.cmpi slt, %add3A_1001, %sign3A_1007 : i32
      %sign3A_1009 = arith.extui %sign3A_1008 : i1 to i32
      %sign3A_1010 = arith.subi %sign3A_1006, %sign3A_1009 : i32
      %sign3A_1011 = arith.constant 0 : i32
      %sign3A_1012 = arith.cmpi sgt, %jit3A_1002, %sign3A_1011 : i32
      %sign3A_1013 = arith.extui %sign3A_1012 : i1 to i32
      %sign3A_1014 = arith.constant 0 : i32
      %sign3A_1015 = arith.cmpi slt, %jit3A_1002, %sign3A_1014 : i32
      %sign3A_1016 = arith.extui %sign3A_1015 : i1 to i32
      %sign3A_1017 = arith.subi %sign3A_1013, %sign3A_1016 : i32
      %ne3A_1018 = arith.cmpi ne, %sign3A_1010, %sign3A_1017 : i32
      %rem3A_1019 = arith.remsi %add3A_1001, %jit3A_1002 : i32
      %ne3A_1020 = arith.constant 0 : i32
      %ne3A_1021 = arith.cmpi ne, %rem3A_1019, %ne3A_1020 : i32
      %and3A_1022 = arith.andi %ne3A_1018, %ne3A_1021 : i1
      %sub3A_1023 = arith.constant 1 : i32
      %sub3A_1024 = arith.subi %div3A_1003, %sub3A_1023 : i32
      %select_n3A_1025 = arith.select %and3A_1022, %sub3A_1024, %div3A_1003 : i32
      %add3A_1026 = arith.constant 3 : i32
      %add3A_1027 = arith.addi %select_n3A_1025, %add3A_1026 : i32
      %dma_start3A_1028 = arith.constant 1 : i32
      %dma_start3A_1029 = arith.constant 0 : i32
      %dma_start3A_1030 = arith.constant 150 : i32
      %dma_start3A_1031 = arith.constant 0 : i32
      %dma_start3A_1032 = tpu.memref_slice %arg6[%dma_start3A_1028, %dma_start3A_1029, %dma_start3A_1030, %dma_start3A_1031] : memref<2x2x200x64xf32, #tpu.memory_space<vmem>> -> memref<1x1x50x64xf32, #tpu.memory_space<vmem>>
      %dma_start3A_1033 = tpu.memref_squeeze %dma_start3A_1032 : memref<1x1x50x64xf32, #tpu.memory_space<vmem>> -> memref<50x64xf32, #tpu.memory_space<vmem>>
      %dma_start3A_1034 = arith.constant 0 : i32
      %dma_start3A_1035 = arith.constant 0 : i32
      %dma_start3A_1036 = tpu.memref_slice %arg4[%add3A_1027, %dma_start3A_1034, %dma_start3A_1035] : memref<16384x56x128xf32, #tpu.memory_space<hbm>> -> memref<1x50x64xf32, #tpu.memory_space<hbm>>
      %dma_start3A_1037 = tpu.memref_squeeze %dma_start3A_1036 : memref<1x50x64xf32, #tpu.memory_space<hbm>> -> memref<50x64xf32, #tpu.memory_space<hbm>>
      %dma_start3A_1038 = arith.constant 0 : i32
      %dma_start3A_1039 = arith.constant 0 : i32
      %dma_start3A_1040 = tpu.memref_slice %arg4[%add3A_1027, %dma_start3A_1038, %dma_start3A_1039] : memref<16384x56x128xf32, #tpu.memory_space<hbm>> -> memref<1x50x64xf32, #tpu.memory_space<hbm>>
      %dma_start3A_1041 = tpu.memref_squeeze %dma_start3A_1040 : memref<1x50x64xf32, #tpu.memory_space<hbm>> -> memref<50x64xf32, #tpu.memory_space<hbm>>
      %dma_start3A_1042 = arith.constant 150 : i32
      %dma_start3A_1043 = arith.constant 0 : i32
      %dma_start3A_1044 = tpu.memref_slice %arg6[%dma_start3A_1028, %dma_start3A_1029, %dma_start3A_1042, %dma_start3A_1043] : memref<2x2x200x64xf32, #tpu.memory_space<vmem>> -> memref<1x1x50x64xf32, #tpu.memory_space<vmem>>
      %dma_start3A_1045 = tpu.memref_squeeze %dma_start3A_1044 : memref<1x1x50x64xf32, #tpu.memory_space<vmem>> -> memref<50x64xf32, #tpu.memory_space<vmem>>
      tpu.enqueue_dma source(%dma_start3A_1045 : memref<50x64xf32, #tpu.memory_space<vmem>>) target(%dma_start3A_1041 : memref<50x64xf32, #tpu.memory_space<hbm>>) target_semaphore(%arg10 : memref<!tpu.dma_semaphore, #tpu.memory_space<semaphore_mem>>)
      %mul3A_1046 = arith.constant 2 : i32
      %mul3A_1047 = arith.muli %add3A_859, %mul3A_1046 : i32
      %add3A_1048 = arith.constant 1 : i32
      %add3A_1049 = arith.addi %mul3A_1047, %add3A_1048 : i32
      %mul3A_1050 = arith.constant 200 : i32
      %mul3A_1051 = arith.muli %add3A_1049, %mul3A_1050 : i32
      %add3A_1052 = arith.addi %mul3A_2, %mul3A_1051 : i32
      %jit3A_1053 = arith.constant 50 : i32
      %div3A_1054 = arith.divsi %add3A_1052, %jit3A_1053 : i32
      %sign3A_1055 = arith.constant 0 : i32
      %sign3A_1056 = arith.cmpi sgt, %add3A_1052, %sign3A_1055 : i32
      %sign3A_1057 = arith.extui %sign3A_1056 : i1 to i32
      %sign3A_1058 = arith.constant 0 : i32
      %sign3A_1059 = arith.cmpi slt, %add3A_1052, %sign3A_1058 : i32
      %sign3A_1060 = arith.extui %sign3A_1059 : i1 to i32
      %sign3A_1061 = arith.subi %sign3A_1057, %sign3A_1060 : i32
      %sign3A_1062 = arith.constant 0 : i32
      %sign3A_1063 = arith.cmpi sgt, %jit3A_1053, %sign3A_1062 : i32
      %sign3A_1064 = arith.extui %sign3A_1063 : i1 to i32
      %sign3A_1065 = arith.constant 0 : i32
      %sign3A_1066 = arith.cmpi slt, %jit3A_1053, %sign3A_1065 : i32
      %sign3A_1067 = arith.extui %sign3A_1066 : i1 to i32
      %sign3A_1068 = arith.subi %sign3A_1064, %sign3A_1067 : i32
      %ne3A_1069 = arith.cmpi ne, %sign3A_1061, %sign3A_1068 : i32
      %rem3A_1070 = arith.remsi %add3A_1052, %jit3A_1053 : i32
      %ne3A_1071 = arith.constant 0 : i32
      %ne3A_1072 = arith.cmpi ne, %rem3A_1070, %ne3A_1071 : i32
      %and3A_1073 = arith.andi %ne3A_1069, %ne3A_1072 : i1
      %sub3A_1074 = arith.constant 1 : i32
      %sub3A_1075 = arith.subi %div3A_1054, %sub3A_1074 : i32
      %select_n3A_1076 = arith.select %and3A_1073, %sub3A_1075, %div3A_1054 : i32
      %add3A_1077 = arith.constant 0 : i32
      %add3A_1078 = arith.addi %select_n3A_1076, %add3A_1077 : i32
      %dma_start3A_1079 = arith.constant 1 : i32
      %dma_start3A_1080 = arith.constant 1 : i32
      %dma_start3A_1081 = arith.constant 0 : i32
      %dma_start3A_1082 = arith.constant 0 : i32
      %dma_start3A_1083 = tpu.memref_slice %arg6[%dma_start3A_1079, %dma_start3A_1080, %dma_start3A_1081, %dma_start3A_1082] : memref<2x2x200x64xf32, #tpu.memory_space<vmem>> -> memref<1x1x50x64xf32, #tpu.memory_space<vmem>>
      %dma_start3A_1084 = tpu.memref_squeeze %dma_start3A_1083 : memref<1x1x50x64xf32, #tpu.memory_space<vmem>> -> memref<50x64xf32, #tpu.memory_space<vmem>>
      %dma_start3A_1085 = arith.constant 0 : i32
      %dma_start3A_1086 = arith.constant 0 : i32
      %dma_start3A_1087 = tpu.memref_slice %arg4[%add3A_1078, %dma_start3A_1085, %dma_start3A_1086] : memref<16384x56x128xf32, #tpu.memory_space<hbm>> -> memref<1x50x64xf32, #tpu.memory_space<hbm>>
      %dma_start3A_1088 = tpu.memref_squeeze %dma_start3A_1087 : memref<1x50x64xf32, #tpu.memory_space<hbm>> -> memref<50x64xf32, #tpu.memory_space<hbm>>
      %dma_start3A_1089 = arith.constant 0 : i32
      %dma_start3A_1090 = arith.constant 0 : i32
      %dma_start3A_1091 = tpu.memref_slice %arg4[%add3A_1078, %dma_start3A_1089, %dma_start3A_1090] : memref<16384x56x128xf32, #tpu.memory_space<hbm>> -> memref<1x50x64xf32, #tpu.memory_space<hbm>>
      %dma_start3A_1092 = tpu.memref_squeeze %dma_start3A_1091 : memref<1x50x64xf32, #tpu.memory_space<hbm>> -> memref<50x64xf32, #tpu.memory_space<hbm>>
      %dma_start3A_1093 = arith.constant 0 : i32
      %dma_start3A_1094 = arith.constant 0 : i32
      %dma_start3A_1095 = tpu.memref_slice %arg6[%dma_start3A_1079, %dma_start3A_1080, %dma_start3A_1093, %dma_start3A_1094] : memref<2x2x200x64xf32, #tpu.memory_space<vmem>> -> memref<1x1x50x64xf32, #tpu.memory_space<vmem>>
      %dma_start3A_1096 = tpu.memref_squeeze %dma_start3A_1095 : memref<1x1x50x64xf32, #tpu.memory_space<vmem>> -> memref<50x64xf32, #tpu.memory_space<vmem>>
      tpu.enqueue_dma source(%dma_start3A_1096 : memref<50x64xf32, #tpu.memory_space<vmem>>) target(%dma_start3A_1092 : memref<50x64xf32, #tpu.memory_space<hbm>>) target_semaphore(%arg10 : memref<!tpu.dma_semaphore, #tpu.memory_space<semaphore_mem>>)
      %add3A_1097 = arith.addi %mul3A_2, %mul3A_1051 : i32
      %jit3A_1098 = arith.constant 50 : i32
      %div3A_1099 = arith.divsi %add3A_1097, %jit3A_1098 : i32
      %sign3A_1100 = arith.constant 0 : i32
      %sign3A_1101 = arith.cmpi sgt, %add3A_1097, %sign3A_1100 : i32
      %sign3A_1102 = arith.extui %sign3A_1101 : i1 to i32
      %sign3A_1103 = arith.constant 0 : i32
      %sign3A_1104 = arith.cmpi slt, %add3A_1097, %sign3A_1103 : i32
      %sign3A_1105 = arith.extui %sign3A_1104 : i1 to i32
      %sign3A_1106 = arith.subi %sign3A_1102, %sign3A_1105 : i32
      %sign3A_1107 = arith.constant 0 : i32
      %sign3A_1108 = arith.cmpi sgt, %jit3A_1098, %sign3A_1107 : i32
      %sign3A_1109 = arith.extui %sign3A_1108 : i1 to i32
      %sign3A_1110 = arith.constant 0 : i32
      %sign3A_1111 = arith.cmpi slt, %jit3A_1098, %sign3A_1110 : i32
      %sign3A_1112 = arith.extui %sign3A_1111 : i1 to i32
      %sign3A_1113 = arith.subi %sign3A_1109, %sign3A_1112 : i32
      %ne3A_1114 = arith.cmpi ne, %sign3A_1106, %sign3A_1113 : i32
      %rem3A_1115 = arith.remsi %add3A_1097, %jit3A_1098 : i32
      %ne3A_1116 = arith.constant 0 : i32
      %ne3A_1117 = arith.cmpi ne, %rem3A_1115, %ne3A_1116 : i32
      %and3A_1118 = arith.andi %ne3A_1114, %ne3A_1117 : i1
      %sub3A_1119 = arith.constant 1 : i32
      %sub3A_1120 = arith.subi %div3A_1099, %sub3A_1119 : i32
      %select_n3A_1121 = arith.select %and3A_1118, %sub3A_1120, %div3A_1099 : i32
      %add3A_1122 = arith.constant 1 : i32
      %add3A_1123 = arith.addi %select_n3A_1121, %add3A_1122 : i32
      %dma_start3A_1124 = arith.constant 1 : i32
      %dma_start3A_1125 = arith.constant 1 : i32
      %dma_start3A_1126 = arith.constant 50 : i32
      %dma_start3A_1127 = arith.constant 0 : i32
      %dma_start3A_1128 = tpu.memref_slice %arg6[%dma_start3A_1124, %dma_start3A_1125, %dma_start3A_1126, %dma_start3A_1127] : memref<2x2x200x64xf32, #tpu.memory_space<vmem>> -> memref<1x1x50x64xf32, #tpu.memory_space<vmem>>
      %dma_start3A_1129 = tpu.memref_squeeze %dma_start3A_1128 : memref<1x1x50x64xf32, #tpu.memory_space<vmem>> -> memref<50x64xf32, #tpu.memory_space<vmem>>
      %dma_start3A_1130 = arith.constant 0 : i32
      %dma_start3A_1131 = arith.constant 0 : i32
      %dma_start3A_1132 = tpu.memref_slice %arg4[%add3A_1123, %dma_start3A_1130, %dma_start3A_1131] : memref<16384x56x128xf32, #tpu.memory_space<hbm>> -> memref<1x50x64xf32, #tpu.memory_space<hbm>>
      %dma_start3A_1133 = tpu.memref_squeeze %dma_start3A_1132 : memref<1x50x64xf32, #tpu.memory_space<hbm>> -> memref<50x64xf32, #tpu.memory_space<hbm>>
      %dma_start3A_1134 = arith.constant 0 : i32
      %dma_start3A_1135 = arith.constant 0 : i32
      %dma_start3A_1136 = tpu.memref_slice %arg4[%add3A_1123, %dma_start3A_1134, %dma_start3A_1135] : memref<16384x56x128xf32, #tpu.memory_space<hbm>> -> memref<1x50x64xf32, #tpu.memory_space<hbm>>
      %dma_start3A_1137 = tpu.memref_squeeze %dma_start3A_1136 : memref<1x50x64xf32, #tpu.memory_space<hbm>> -> memref<50x64xf32, #tpu.memory_space<hbm>>
      %dma_start3A_1138 = arith.constant 50 : i32
      %dma_start3A_1139 = arith.constant 0 : i32
      %dma_start3A_1140 = tpu.memref_slice %arg6[%dma_start3A_1124, %dma_start3A_1125, %dma_start3A_1138, %dma_start3A_1139] : memref<2x2x200x64xf32, #tpu.memory_space<vmem>> -> memref<1x1x50x64xf32, #tpu.memory_space<vmem>>
      %dma_start3A_1141 = tpu.memref_squeeze %dma_start3A_1140 : memref<1x1x50x64xf32, #tpu.memory_space<vmem>> -> memref<50x64xf32, #tpu.memory_space<vmem>>
      tpu.enqueue_dma source(%dma_start3A_1141 : memref<50x64xf32, #tpu.memory_space<vmem>>) target(%dma_start3A_1137 : memref<50x64xf32, #tpu.memory_space<hbm>>) target_semaphore(%arg10 : memref<!tpu.dma_semaphore, #tpu.memory_space<semaphore_mem>>)
      %add3A_1142 = arith.addi %mul3A_2, %mul3A_1051 : i32
      %jit3A_1143 = arith.constant 50 : i32
      %div3A_1144 = arith.divsi %add3A_1142, %jit3A_1143 : i32
      %sign3A_1145 = arith.constant 0 : i32
      %sign3A_1146 = arith.cmpi sgt, %add3A_1142, %sign3A_1145 : i32
      %sign3A_1147 = arith.extui %sign3A_1146 : i1 to i32
      %sign3A_1148 = arith.constant 0 : i32
      %sign3A_1149 = arith.cmpi slt, %add3A_1142, %sign3A_1148 : i32
      %sign3A_1150 = arith.extui %sign3A_1149 : i1 to i32
      %sign3A_1151 = arith.subi %sign3A_1147, %sign3A_1150 : i32
      %sign3A_1152 = arith.constant 0 : i32
      %sign3A_1153 = arith.cmpi sgt, %jit3A_1143, %sign3A_1152 : i32
      %sign3A_1154 = arith.extui %sign3A_1153 : i1 to i32
      %sign3A_1155 = arith.constant 0 : i32
      %sign3A_1156 = arith.cmpi slt, %jit3A_1143, %sign3A_1155 : i32
      %sign3A_1157 = arith.extui %sign3A_1156 : i1 to i32
      %sign3A_1158 = arith.subi %sign3A_1154, %sign3A_1157 : i32
      %ne3A_1159 = arith.cmpi ne, %sign3A_1151, %sign3A_1158 : i32
      %rem3A_1160 = arith.remsi %add3A_1142, %jit3A_1143 : i32
      %ne3A_1161 = arith.constant 0 : i32
      %ne3A_1162 = arith.cmpi ne, %rem3A_1160, %ne3A_1161 : i32
      %and3A_1163 = arith.andi %ne3A_1159, %ne3A_1162 : i1
      %sub3A_1164 = arith.constant 1 : i32
      %sub3A_1165 = arith.subi %div3A_1144, %sub3A_1164 : i32
      %select_n3A_1166 = arith.select %and3A_1163, %sub3A_1165, %div3A_1144 : i32
      %add3A_1167 = arith.constant 2 : i32
      %add3A_1168 = arith.addi %select_n3A_1166, %add3A_1167 : i32
      %dma_start3A_1169 = arith.constant 1 : i32
      %dma_start3A_1170 = arith.constant 1 : i32
      %dma_start3A_1171 = arith.constant 100 : i32
      %dma_start3A_1172 = arith.constant 0 : i32
      %dma_start3A_1173 = tpu.memref_slice %arg6[%dma_start3A_1169, %dma_start3A_1170, %dma_start3A_1171, %dma_start3A_1172] : memref<2x2x200x64xf32, #tpu.memory_space<vmem>> -> memref<1x1x50x64xf32, #tpu.memory_space<vmem>>
      %dma_start3A_1174 = tpu.memref_squeeze %dma_start3A_1173 : memref<1x1x50x64xf32, #tpu.memory_space<vmem>> -> memref<50x64xf32, #tpu.memory_space<vmem>>
      %dma_start3A_1175 = arith.constant 0 : i32
      %dma_start3A_1176 = arith.constant 0 : i32
      %dma_start3A_1177 = tpu.memref_slice %arg4[%add3A_1168, %dma_start3A_1175, %dma_start3A_1176] : memref<16384x56x128xf32, #tpu.memory_space<hbm>> -> memref<1x50x64xf32, #tpu.memory_space<hbm>>
      %dma_start3A_1178 = tpu.memref_squeeze %dma_start3A_1177 : memref<1x50x64xf32, #tpu.memory_space<hbm>> -> memref<50x64xf32, #tpu.memory_space<hbm>>
      %dma_start3A_1179 = arith.constant 0 : i32
      %dma_start3A_1180 = arith.constant 0 : i32
      %dma_start3A_1181 = tpu.memref_slice %arg4[%add3A_1168, %dma_start3A_1179, %dma_start3A_1180] : memref<16384x56x128xf32, #tpu.memory_space<hbm>> -> memref<1x50x64xf32, #tpu.memory_space<hbm>>
      %dma_start3A_1182 = tpu.memref_squeeze %dma_start3A_1181 : memref<1x50x64xf32, #tpu.memory_space<hbm>> -> memref<50x64xf32, #tpu.memory_space<hbm>>
      %dma_start3A_1183 = arith.constant 100 : i32
      %dma_start3A_1184 = arith.constant 0 : i32
      %dma_start3A_1185 = tpu.memref_slice %arg6[%dma_start3A_1169, %dma_start3A_1170, %dma_start3A_1183, %dma_start3A_1184] : memref<2x2x200x64xf32, #tpu.memory_space<vmem>> -> memref<1x1x50x64xf32, #tpu.memory_space<vmem>>
      %dma_start3A_1186 = tpu.memref_squeeze %dma_start3A_1185 : memref<1x1x50x64xf32, #tpu.memory_space<vmem>> -> memref<50x64xf32, #tpu.memory_space<vmem>>
      tpu.enqueue_dma source(%dma_start3A_1186 : memref<50x64xf32, #tpu.memory_space<vmem>>) target(%dma_start3A_1182 : memref<50x64xf32, #tpu.memory_space<hbm>>) target_semaphore(%arg10 : memref<!tpu.dma_semaphore, #tpu.memory_space<semaphore_mem>>)
      %add3A_1187 = arith.addi %mul3A_2, %mul3A_1051 : i32
      %jit3A_1188 = arith.constant 50 : i32
      %div3A_1189 = arith.divsi %add3A_1187, %jit3A_1188 : i32
      %sign3A_1190 = arith.constant 0 : i32
      %sign3A_1191 = arith.cmpi sgt, %add3A_1187, %sign3A_1190 : i32
      %sign3A_1192 = arith.extui %sign3A_1191 : i1 to i32
      %sign3A_1193 = arith.constant 0 : i32
      %sign3A_1194 = arith.cmpi slt, %add3A_1187, %sign3A_1193 : i32
      %sign3A_1195 = arith.extui %sign3A_1194 : i1 to i32
      %sign3A_1196 = arith.subi %sign3A_1192, %sign3A_1195 : i32
      %sign3A_1197 = arith.constant 0 : i32
      %sign3A_1198 = arith.cmpi sgt, %jit3A_1188, %sign3A_1197 : i32
      %sign3A_1199 = arith.extui %sign3A_1198 : i1 to i32
      %sign3A_1200 = arith.constant 0 : i32
      %sign3A_1201 = arith.cmpi slt, %jit3A_1188, %sign3A_1200 : i32
      %sign3A_1202 = arith.extui %sign3A_1201 : i1 to i32
      %sign3A_1203 = arith.subi %sign3A_1199, %sign3A_1202 : i32
      %ne3A_1204 = arith.cmpi ne, %sign3A_1196, %sign3A_1203 : i32
      %rem3A_1205 = arith.remsi %add3A_1187, %jit3A_1188 : i32
      %ne3A_1206 = arith.constant 0 : i32
      %ne3A_1207 = arith.cmpi ne, %rem3A_1205, %ne3A_1206 : i32
      %and3A_1208 = arith.andi %ne3A_1204, %ne3A_1207 : i1
      %sub3A_1209 = arith.constant 1 : i32
      %sub3A_1210 = arith.subi %div3A_1189, %sub3A_1209 : i32
      %select_n3A_1211 = arith.select %and3A_1208, %sub3A_1210, %div3A_1189 : i32
      %add3A_1212 = arith.constant 3 : i32
      %add3A_1213 = arith.addi %select_n3A_1211, %add3A_1212 : i32
      %dma_start3A_1214 = arith.constant 1 : i32
      %dma_start3A_1215 = arith.constant 1 : i32
      %dma_start3A_1216 = arith.constant 150 : i32
      %dma_start3A_1217 = arith.constant 0 : i32
      %dma_start3A_1218 = tpu.memref_slice %arg6[%dma_start3A_1214, %dma_start3A_1215, %dma_start3A_1216, %dma_start3A_1217] : memref<2x2x200x64xf32, #tpu.memory_space<vmem>> -> memref<1x1x50x64xf32, #tpu.memory_space<vmem>>
      %dma_start3A_1219 = tpu.memref_squeeze %dma_start3A_1218 : memref<1x1x50x64xf32, #tpu.memory_space<vmem>> -> memref<50x64xf32, #tpu.memory_space<vmem>>
      %dma_start3A_1220 = arith.constant 0 : i32
      %dma_start3A_1221 = arith.constant 0 : i32
      %dma_start3A_1222 = tpu.memref_slice %arg4[%add3A_1213, %dma_start3A_1220, %dma_start3A_1221] : memref<16384x56x128xf32, #tpu.memory_space<hbm>> -> memref<1x50x64xf32, #tpu.memory_space<hbm>>
      %dma_start3A_1223 = tpu.memref_squeeze %dma_start3A_1222 : memref<1x50x64xf32, #tpu.memory_space<hbm>> -> memref<50x64xf32, #tpu.memory_space<hbm>>
      %dma_start3A_1224 = arith.constant 0 : i32
      %dma_start3A_1225 = arith.constant 0 : i32
      %dma_start3A_1226 = tpu.memref_slice %arg4[%add3A_1213, %dma_start3A_1224, %dma_start3A_1225] : memref<16384x56x128xf32, #tpu.memory_space<hbm>> -> memref<1x50x64xf32, #tpu.memory_space<hbm>>
      %dma_start3A_1227 = tpu.memref_squeeze %dma_start3A_1226 : memref<1x50x64xf32, #tpu.memory_space<hbm>> -> memref<50x64xf32, #tpu.memory_space<hbm>>
      %dma_start3A_1228 = arith.constant 150 : i32
      %dma_start3A_1229 = arith.constant 0 : i32
      %dma_start3A_1230 = tpu.memref_slice %arg6[%dma_start3A_1214, %dma_start3A_1215, %dma_start3A_1228, %dma_start3A_1229] : memref<2x2x200x64xf32, #tpu.memory_space<vmem>> -> memref<1x1x50x64xf32, #tpu.memory_space<vmem>>
      %dma_start3A_1231 = tpu.memref_squeeze %dma_start3A_1230 : memref<1x1x50x64xf32, #tpu.memory_space<vmem>> -> memref<50x64xf32, #tpu.memory_space<vmem>>
      tpu.enqueue_dma source(%dma_start3A_1231 : memref<50x64xf32, #tpu.memory_space<vmem>>) target(%dma_start3A_1227 : memref<50x64xf32, #tpu.memory_space<hbm>>) target_semaphore(%arg10 : memref<!tpu.dma_semaphore, #tpu.memory_space<semaphore_mem>>)
      %add3A_1232 = arith.constant 1 : i32
      %add3A_1233 = arith.addi %add3A_54, %add3A_1232 : i32
      %mul3A_1234 = arith.constant 2 : i32
      %mul3A_1235 = arith.muli %add3A_1233, %mul3A_1234 : i32
      %add3A_1236 = arith.constant 0 : i32
      %add3A_1237 = arith.addi %mul3A_1235, %add3A_1236 : i32
      %mul3A_1238 = arith.constant 200 : i32
      %mul3A_1239 = arith.muli %add3A_1237, %mul3A_1238 : i32
      %add3A_1240 = arith.addi %mul3A_2, %mul3A_1239 : i32
      %jit3A_1241 = arith.constant 50 : i32
      %div3A_1242 = arith.divsi %add3A_1240, %jit3A_1241 : i32
      %sign3A_1243 = arith.constant 0 : i32
      %sign3A_1244 = arith.cmpi sgt, %add3A_1240, %sign3A_1243 : i32
      %sign3A_1245 = arith.extui %sign3A_1244 : i1 to i32
      %sign3A_1246 = arith.constant 0 : i32
      %sign3A_1247 = arith.cmpi slt, %add3A_1240, %sign3A_1246 : i32
      %sign3A_1248 = arith.extui %sign3A_1247 : i1 to i32
      %sign3A_1249 = arith.subi %sign3A_1245, %sign3A_1248 : i32
      %sign3A_1250 = arith.constant 0 : i32
      %sign3A_1251 = arith.cmpi sgt, %jit3A_1241, %sign3A_1250 : i32
      %sign3A_1252 = arith.extui %sign3A_1251 : i1 to i32
      %sign3A_1253 = arith.constant 0 : i32
      %sign3A_1254 = arith.cmpi slt, %jit3A_1241, %sign3A_1253 : i32
      %sign3A_1255 = arith.extui %sign3A_1254 : i1 to i32
      %sign3A_1256 = arith.subi %sign3A_1252, %sign3A_1255 : i32
      %ne3A_1257 = arith.cmpi ne, %sign3A_1249, %sign3A_1256 : i32
      %rem3A_1258 = arith.remsi %add3A_1240, %jit3A_1241 : i32
      %ne3A_1259 = arith.constant 0 : i32
      %ne3A_1260 = arith.cmpi ne, %rem3A_1258, %ne3A_1259 : i32
      %and3A_1261 = arith.andi %ne3A_1257, %ne3A_1260 : i1
      %sub3A_1262 = arith.constant 1 : i32
      %sub3A_1263 = arith.subi %div3A_1242, %sub3A_1262 : i32
      %select_n3A_1264 = arith.select %and3A_1261, %sub3A_1263, %div3A_1242 : i32
      %add3A_1265 = arith.constant 0 : i32
      %add3A_1266 = arith.addi %select_n3A_1264, %add3A_1265 : i32
      %dma_wait3A_1267 = arith.constant 1 : i32
      %dma_wait3A_1268 = arith.constant 0 : i32
      %dma_wait3A_1269 = arith.constant 0 : i32
      %dma_wait3A_1270 = arith.constant 0 : i32
      %dma_wait3A_1271 = tpu.memref_slice %arg6[%dma_wait3A_1267, %dma_wait3A_1268, %dma_wait3A_1269, %dma_wait3A_1270] : memref<2x2x200x64xf32, #tpu.memory_space<vmem>> -> memref<1x1x50x64xf32, #tpu.memory_space<vmem>>
      %dma_wait3A_1272 = tpu.memref_squeeze %dma_wait3A_1271 : memref<1x1x50x64xf32, #tpu.memory_space<vmem>> -> memref<50x64xf32, #tpu.memory_space<vmem>>
      %dma_wait3A_1273 = arith.constant 0 : i32
      %dma_wait3A_1274 = arith.constant 0 : i32
      %dma_wait3A_1275 = tpu.memref_slice %arg4[%add3A_1266, %dma_wait3A_1273, %dma_wait3A_1274] : memref<16384x56x128xf32, #tpu.memory_space<hbm>> -> memref<1x50x64xf32, #tpu.memory_space<hbm>>
      %dma_wait3A_1276 = tpu.memref_squeeze %dma_wait3A_1275 : memref<1x50x64xf32, #tpu.memory_space<hbm>> -> memref<50x64xf32, #tpu.memory_space<hbm>>
      %dma_wait3A_1277 = arith.constant 0 : i32
      %dma_wait3A_1278 = arith.constant 0 : i32
      %dma_wait3A_1279 = tpu.memref_slice %arg4[%add3A_1266, %dma_wait3A_1277, %dma_wait3A_1278] : memref<16384x56x128xf32, #tpu.memory_space<hbm>> -> memref<1x50x64xf32, #tpu.memory_space<hbm>>
      %dma_wait3A_1280 = tpu.memref_squeeze %dma_wait3A_1279 : memref<1x50x64xf32, #tpu.memory_space<hbm>> -> memref<50x64xf32, #tpu.memory_space<hbm>>
      %dma_wait3A_1281 = arith.constant 0 : i32
      %dma_wait3A_1282 = arith.constant 0 : i32
      %dma_wait3A_1283 = tpu.memref_slice %arg6[%dma_wait3A_1267, %dma_wait3A_1268, %dma_wait3A_1281, %dma_wait3A_1282] : memref<2x2x200x64xf32, #tpu.memory_space<vmem>> -> memref<1x1x50x64xf32, #tpu.memory_space<vmem>>
      %dma_wait3A_1284 = tpu.memref_squeeze %dma_wait3A_1283 : memref<1x1x50x64xf32, #tpu.memory_space<vmem>> -> memref<50x64xf32, #tpu.memory_space<vmem>>
      tpu.wait_dma2 semaphore(%arg10 : memref<!tpu.dma_semaphore, #tpu.memory_space<semaphore_mem>>) src(%dma_wait3A_1284 : memref<50x64xf32, #tpu.memory_space<vmem>>) dst(%dma_wait3A_1280 : memref<50x64xf32, #tpu.memory_space<hbm>>)
      %add3A_1285 = arith.addi %mul3A_2, %mul3A_1239 : i32
      %jit3A_1286 = arith.constant 50 : i32
      %div3A_1287 = arith.divsi %add3A_1285, %jit3A_1286 : i32
      %sign3A_1288 = arith.constant 0 : i32
      %sign3A_1289 = arith.cmpi sgt, %add3A_1285, %sign3A_1288 : i32
      %sign3A_1290 = arith.extui %sign3A_1289 : i1 to i32
      %sign3A_1291 = arith.constant 0 : i32
      %sign3A_1292 = arith.cmpi slt, %add3A_1285, %sign3A_1291 : i32
      %sign3A_1293 = arith.extui %sign3A_1292 : i1 to i32
      %sign3A_1294 = arith.subi %sign3A_1290, %sign3A_1293 : i32
      %sign3A_1295 = arith.constant 0 : i32
      %sign3A_1296 = arith.cmpi sgt, %jit3A_1286, %sign3A_1295 : i32
      %sign3A_1297 = arith.extui %sign3A_1296 : i1 to i32
      %sign3A_1298 = arith.constant 0 : i32
      %sign3A_1299 = arith.cmpi slt, %jit3A_1286, %sign3A_1298 : i32
      %sign3A_1300 = arith.extui %sign3A_1299 : i1 to i32
      %sign3A_1301 = arith.subi %sign3A_1297, %sign3A_1300 : i32
      %ne3A_1302 = arith.cmpi ne, %sign3A_1294, %sign3A_1301 : i32
      %rem3A_1303 = arith.remsi %add3A_1285, %jit3A_1286 : i32
      %ne3A_1304 = arith.constant 0 : i32
      %ne3A_1305 = arith.cmpi ne, %rem3A_1303, %ne3A_1304 : i32
      %and3A_1306 = arith.andi %ne3A_1302, %ne3A_1305 : i1
      %sub3A_1307 = arith.constant 1 : i32
      %sub3A_1308 = arith.subi %div3A_1287, %sub3A_1307 : i32
      %select_n3A_1309 = arith.select %and3A_1306, %sub3A_1308, %div3A_1287 : i32
      %add3A_1310 = arith.constant 1 : i32
      %add3A_1311 = arith.addi %select_n3A_1309, %add3A_1310 : i32
      %dma_wait3A_1312 = arith.constant 1 : i32
      %dma_wait3A_1313 = arith.constant 0 : i32
      %dma_wait3A_1314 = arith.constant 50 : i32
      %dma_wait3A_1315 = arith.constant 0 : i32
      %dma_wait3A_1316 = tpu.memref_slice %arg6[%dma_wait3A_1312, %dma_wait3A_1313, %dma_wait3A_1314, %dma_wait3A_1315] : memref<2x2x200x64xf32, #tpu.memory_space<vmem>> -> memref<1x1x50x64xf32, #tpu.memory_space<vmem>>
      %dma_wait3A_1317 = tpu.memref_squeeze %dma_wait3A_1316 : memref<1x1x50x64xf32, #tpu.memory_space<vmem>> -> memref<50x64xf32, #tpu.memory_space<vmem>>
      %dma_wait3A_1318 = arith.constant 0 : i32
      %dma_wait3A_1319 = arith.constant 0 : i32
      %dma_wait3A_1320 = tpu.memref_slice %arg4[%add3A_1311, %dma_wait3A_1318, %dma_wait3A_1319] : memref<16384x56x128xf32, #tpu.memory_space<hbm>> -> memref<1x50x64xf32, #tpu.memory_space<hbm>>
      %dma_wait3A_1321 = tpu.memref_squeeze %dma_wait3A_1320 : memref<1x50x64xf32, #tpu.memory_space<hbm>> -> memref<50x64xf32, #tpu.memory_space<hbm>>
      %dma_wait3A_1322 = arith.constant 0 : i32
      %dma_wait3A_1323 = arith.constant 0 : i32
      %dma_wait3A_1324 = tpu.memref_slice %arg4[%add3A_1311, %dma_wait3A_1322, %dma_wait3A_1323] : memref<16384x56x128xf32, #tpu.memory_space<hbm>> -> memref<1x50x64xf32, #tpu.memory_space<hbm>>
      %dma_wait3A_1325 = tpu.memref_squeeze %dma_wait3A_1324 : memref<1x50x64xf32, #tpu.memory_space<hbm>> -> memref<50x64xf32, #tpu.memory_space<hbm>>
      %dma_wait3A_1326 = arith.constant 50 : i32
      %dma_wait3A_1327 = arith.constant 0 : i32
      %dma_wait3A_1328 = tpu.memref_slice %arg6[%dma_wait3A_1312, %dma_wait3A_1313, %dma_wait3A_1326, %dma_wait3A_1327] : memref<2x2x200x64xf32, #tpu.memory_space<vmem>> -> memref<1x1x50x64xf32, #tpu.memory_space<vmem>>
      %dma_wait3A_1329 = tpu.memref_squeeze %dma_wait3A_1328 : memref<1x1x50x64xf32, #tpu.memory_space<vmem>> -> memref<50x64xf32, #tpu.memory_space<vmem>>
      tpu.wait_dma2 semaphore(%arg10 : memref<!tpu.dma_semaphore, #tpu.memory_space<semaphore_mem>>) src(%dma_wait3A_1329 : memref<50x64xf32, #tpu.memory_space<vmem>>) dst(%dma_wait3A_1325 : memref<50x64xf32, #tpu.memory_space<hbm>>)
      %add3A_1330 = arith.addi %mul3A_2, %mul3A_1239 : i32
      %jit3A_1331 = arith.constant 50 : i32
      %div3A_1332 = arith.divsi %add3A_1330, %jit3A_1331 : i32
      %sign3A_1333 = arith.constant 0 : i32
      %sign3A_1334 = arith.cmpi sgt, %add3A_1330, %sign3A_1333 : i32
      %sign3A_1335 = arith.extui %sign3A_1334 : i1 to i32
      %sign3A_1336 = arith.constant 0 : i32
      %sign3A_1337 = arith.cmpi slt, %add3A_1330, %sign3A_1336 : i32
      %sign3A_1338 = arith.extui %sign3A_1337 : i1 to i32
      %sign3A_1339 = arith.subi %sign3A_1335, %sign3A_1338 : i32
      %sign3A_1340 = arith.constant 0 : i32
      %sign3A_1341 = arith.cmpi sgt, %jit3A_1331, %sign3A_1340 : i32
      %sign3A_1342 = arith.extui %sign3A_1341 : i1 to i32
      %sign3A_1343 = arith.constant 0 : i32
      %sign3A_1344 = arith.cmpi slt, %jit3A_1331, %sign3A_1343 : i32
      %sign3A_1345 = arith.extui %sign3A_1344 : i1 to i32
      %sign3A_1346 = arith.subi %sign3A_1342, %sign3A_1345 : i32
      %ne3A_1347 = arith.cmpi ne, %sign3A_1339, %sign3A_1346 : i32
      %rem3A_1348 = arith.remsi %add3A_1330, %jit3A_1331 : i32
      %ne3A_1349 = arith.constant 0 : i32
      %ne3A_1350 = arith.cmpi ne, %rem3A_1348, %ne3A_1349 : i32
      %and3A_1351 = arith.andi %ne3A_1347, %ne3A_1350 : i1
      %sub3A_1352 = arith.constant 1 : i32
      %sub3A_1353 = arith.subi %div3A_1332, %sub3A_1352 : i32
      %select_n3A_1354 = arith.select %and3A_1351, %sub3A_1353, %div3A_1332 : i32
      %add3A_1355 = arith.constant 2 : i32
      %add3A_1356 = arith.addi %select_n3A_1354, %add3A_1355 : i32
      %dma_wait3A_1357 = arith.constant 1 : i32
      %dma_wait3A_1358 = arith.constant 0 : i32
      %dma_wait3A_1359 = arith.constant 100 : i32
      %dma_wait3A_1360 = arith.constant 0 : i32
      %dma_wait3A_1361 = tpu.memref_slice %arg6[%dma_wait3A_1357, %dma_wait3A_1358, %dma_wait3A_1359, %dma_wait3A_1360] : memref<2x2x200x64xf32, #tpu.memory_space<vmem>> -> memref<1x1x50x64xf32, #tpu.memory_space<vmem>>
      %dma_wait3A_1362 = tpu.memref_squeeze %dma_wait3A_1361 : memref<1x1x50x64xf32, #tpu.memory_space<vmem>> -> memref<50x64xf32, #tpu.memory_space<vmem>>
      %dma_wait3A_1363 = arith.constant 0 : i32
      %dma_wait3A_1364 = arith.constant 0 : i32
      %dma_wait3A_1365 = tpu.memref_slice %arg4[%add3A_1356, %dma_wait3A_1363, %dma_wait3A_1364] : memref<16384x56x128xf32, #tpu.memory_space<hbm>> -> memref<1x50x64xf32, #tpu.memory_space<hbm>>
      %dma_wait3A_1366 = tpu.memref_squeeze %dma_wait3A_1365 : memref<1x50x64xf32, #tpu.memory_space<hbm>> -> memref<50x64xf32, #tpu.memory_space<hbm>>
      %dma_wait3A_1367 = arith.constant 0 : i32
      %dma_wait3A_1368 = arith.constant 0 : i32
      %dma_wait3A_1369 = tpu.memref_slice %arg4[%add3A_1356, %dma_wait3A_1367, %dma_wait3A_1368] : memref<16384x56x128xf32, #tpu.memory_space<hbm>> -> memref<1x50x64xf32, #tpu.memory_space<hbm>>
      %dma_wait3A_1370 = tpu.memref_squeeze %dma_wait3A_1369 : memref<1x50x64xf32, #tpu.memory_space<hbm>> -> memref<50x64xf32, #tpu.memory_space<hbm>>
      %dma_wait3A_1371 = arith.constant 100 : i32
      %dma_wait3A_1372 = arith.constant 0 : i32
      %dma_wait3A_1373 = tpu.memref_slice %arg6[%dma_wait3A_1357, %dma_wait3A_1358, %dma_wait3A_1371, %dma_wait3A_1372] : memref<2x2x200x64xf32, #tpu.memory_space<vmem>> -> memref<1x1x50x64xf32, #tpu.memory_space<vmem>>
      %dma_wait3A_1374 = tpu.memref_squeeze %dma_wait3A_1373 : memref<1x1x50x64xf32, #tpu.memory_space<vmem>> -> memref<50x64xf32, #tpu.memory_space<vmem>>
      tpu.wait_dma2 semaphore(%arg10 : memref<!tpu.dma_semaphore, #tpu.memory_space<semaphore_mem>>) src(%dma_wait3A_1374 : memref<50x64xf32, #tpu.memory_space<vmem>>) dst(%dma_wait3A_1370 : memref<50x64xf32, #tpu.memory_space<hbm>>)
      %add3A_1375 = arith.addi %mul3A_2, %mul3A_1239 : i32
      %jit3A_1376 = arith.constant 50 : i32
      %div3A_1377 = arith.divsi %add3A_1375, %jit3A_1376 : i32
      %sign3A_1378 = arith.constant 0 : i32
      %sign3A_1379 = arith.cmpi sgt, %add3A_1375, %sign3A_1378 : i32
      %sign3A_1380 = arith.extui %sign3A_1379 : i1 to i32
      %sign3A_1381 = arith.constant 0 : i32
      %sign3A_1382 = arith.cmpi slt, %add3A_1375, %sign3A_1381 : i32
      %sign3A_1383 = arith.extui %sign3A_1382 : i1 to i32
      %sign3A_1384 = arith.subi %sign3A_1380, %sign3A_1383 : i32
      %sign3A_1385 = arith.constant 0 : i32
      %sign3A_1386 = arith.cmpi sgt, %jit3A_1376, %sign3A_1385 : i32
      %sign3A_1387 = arith.extui %sign3A_1386 : i1 to i32
      %sign3A_1388 = arith.constant 0 : i32
      %sign3A_1389 = arith.cmpi slt, %jit3A_1376, %sign3A_1388 : i32
      %sign3A_1390 = arith.extui %sign3A_1389 : i1 to i32
      %sign3A_1391 = arith.subi %sign3A_1387, %sign3A_1390 : i32
      %ne3A_1392 = arith.cmpi ne, %sign3A_1384, %sign3A_1391 : i32
      %rem3A_1393 = arith.remsi %add3A_1375, %jit3A_1376 : i32
      %ne3A_1394 = arith.constant 0 : i32
      %ne3A_1395 = arith.cmpi ne, %rem3A_1393, %ne3A_1394 : i32
      %and3A_1396 = arith.andi %ne3A_1392, %ne3A_1395 : i1
      %sub3A_1397 = arith.constant 1 : i32
      %sub3A_1398 = arith.subi %div3A_1377, %sub3A_1397 : i32
      %select_n3A_1399 = arith.select %and3A_1396, %sub3A_1398, %div3A_1377 : i32
      %add3A_1400 = arith.constant 3 : i32
      %add3A_1401 = arith.addi %select_n3A_1399, %add3A_1400 : i32
      %dma_wait3A_1402 = arith.constant 1 : i32
      %dma_wait3A_1403 = arith.constant 0 : i32
      %dma_wait3A_1404 = arith.constant 150 : i32
      %dma_wait3A_1405 = arith.constant 0 : i32
      %dma_wait3A_1406 = tpu.memref_slice %arg6[%dma_wait3A_1402, %dma_wait3A_1403, %dma_wait3A_1404, %dma_wait3A_1405] : memref<2x2x200x64xf32, #tpu.memory_space<vmem>> -> memref<1x1x50x64xf32, #tpu.memory_space<vmem>>
      %dma_wait3A_1407 = tpu.memref_squeeze %dma_wait3A_1406 : memref<1x1x50x64xf32, #tpu.memory_space<vmem>> -> memref<50x64xf32, #tpu.memory_space<vmem>>
      %dma_wait3A_1408 = arith.constant 0 : i32
      %dma_wait3A_1409 = arith.constant 0 : i32
      %dma_wait3A_1410 = tpu.memref_slice %arg4[%add3A_1401, %dma_wait3A_1408, %dma_wait3A_1409] : memref<16384x56x128xf32, #tpu.memory_space<hbm>> -> memref<1x50x64xf32, #tpu.memory_space<hbm>>
      %dma_wait3A_1411 = tpu.memref_squeeze %dma_wait3A_1410 : memref<1x50x64xf32, #tpu.memory_space<hbm>> -> memref<50x64xf32, #tpu.memory_space<hbm>>
      %dma_wait3A_1412 = arith.constant 0 : i32
      %dma_wait3A_1413 = arith.constant 0 : i32
      %dma_wait3A_1414 = tpu.memref_slice %arg4[%add3A_1401, %dma_wait3A_1412, %dma_wait3A_1413] : memref<16384x56x128xf32, #tpu.memory_space<hbm>> -> memref<1x50x64xf32, #tpu.memory_space<hbm>>
      %dma_wait3A_1415 = tpu.memref_squeeze %dma_wait3A_1414 : memref<1x50x64xf32, #tpu.memory_space<hbm>> -> memref<50x64xf32, #tpu.memory_space<hbm>>
      %dma_wait3A_1416 = arith.constant 150 : i32
      %dma_wait3A_1417 = arith.constant 0 : i32
      %dma_wait3A_1418 = tpu.memref_slice %arg6[%dma_wait3A_1402, %dma_wait3A_1403, %dma_wait3A_1416, %dma_wait3A_1417] : memref<2x2x200x64xf32, #tpu.memory_space<vmem>> -> memref<1x1x50x64xf32, #tpu.memory_space<vmem>>
      %dma_wait3A_1419 = tpu.memref_squeeze %dma_wait3A_1418 : memref<1x1x50x64xf32, #tpu.memory_space<vmem>> -> memref<50x64xf32, #tpu.memory_space<vmem>>
      tpu.wait_dma2 semaphore(%arg10 : memref<!tpu.dma_semaphore, #tpu.memory_space<semaphore_mem>>) src(%dma_wait3A_1419 : memref<50x64xf32, #tpu.memory_space<vmem>>) dst(%dma_wait3A_1415 : memref<50x64xf32, #tpu.memory_space<hbm>>)
      %mul3A_1420 = arith.constant 2 : i32
      %mul3A_1421 = arith.muli %add3A_1233, %mul3A_1420 : i32
      %add3A_1422 = arith.constant 1 : i32
      %add3A_1423 = arith.addi %mul3A_1421, %add3A_1422 : i32
      %mul3A_1424 = arith.constant 200 : i32
      %mul3A_1425 = arith.muli %add3A_1423, %mul3A_1424 : i32
      %add3A_1426 = arith.addi %mul3A_2, %mul3A_1425 : i32
      %jit3A_1427 = arith.constant 50 : i32
      %div3A_1428 = arith.divsi %add3A_1426, %jit3A_1427 : i32
      %sign3A_1429 = arith.constant 0 : i32
      %sign3A_1430 = arith.cmpi sgt, %add3A_1426, %sign3A_1429 : i32
      %sign3A_1431 = arith.extui %sign3A_1430 : i1 to i32
      %sign3A_1432 = arith.constant 0 : i32
      %sign3A_1433 = arith.cmpi slt, %add3A_1426, %sign3A_1432 : i32
      %sign3A_1434 = arith.extui %sign3A_1433 : i1 to i32
      %sign3A_1435 = arith.subi %sign3A_1431, %sign3A_1434 : i32
      %sign3A_1436 = arith.constant 0 : i32
      %sign3A_1437 = arith.cmpi sgt, %jit3A_1427, %sign3A_1436 : i32
      %sign3A_1438 = arith.extui %sign3A_1437 : i1 to i32
      %sign3A_1439 = arith.constant 0 : i32
      %sign3A_1440 = arith.cmpi slt, %jit3A_1427, %sign3A_1439 : i32
      %sign3A_1441 = arith.extui %sign3A_1440 : i1 to i32
      %sign3A_1442 = arith.subi %sign3A_1438, %sign3A_1441 : i32
      %ne3A_1443 = arith.cmpi ne, %sign3A_1435, %sign3A_1442 : i32
      %rem3A_1444 = arith.remsi %add3A_1426, %jit3A_1427 : i32
      %ne3A_1445 = arith.constant 0 : i32
      %ne3A_1446 = arith.cmpi ne, %rem3A_1444, %ne3A_1445 : i32
      %and3A_1447 = arith.andi %ne3A_1443, %ne3A_1446 : i1
      %sub3A_1448 = arith.constant 1 : i32
      %sub3A_1449 = arith.subi %div3A_1428, %sub3A_1448 : i32
      %select_n3A_1450 = arith.select %and3A_1447, %sub3A_1449, %div3A_1428 : i32
      %add3A_1451 = arith.constant 0 : i32
      %add3A_1452 = arith.addi %select_n3A_1450, %add3A_1451 : i32
      %dma_wait3A_1453 = arith.constant 1 : i32
      %dma_wait3A_1454 = arith.constant 1 : i32
      %dma_wait3A_1455 = arith.constant 0 : i32
      %dma_wait3A_1456 = arith.constant 0 : i32
      %dma_wait3A_1457 = tpu.memref_slice %arg6[%dma_wait3A_1453, %dma_wait3A_1454, %dma_wait3A_1455, %dma_wait3A_1456] : memref<2x2x200x64xf32, #tpu.memory_space<vmem>> -> memref<1x1x50x64xf32, #tpu.memory_space<vmem>>
      %dma_wait3A_1458 = tpu.memref_squeeze %dma_wait3A_1457 : memref<1x1x50x64xf32, #tpu.memory_space<vmem>> -> memref<50x64xf32, #tpu.memory_space<vmem>>
      %dma_wait3A_1459 = arith.constant 0 : i32
      %dma_wait3A_1460 = arith.constant 0 : i32
      %dma_wait3A_1461 = tpu.memref_slice %arg4[%add3A_1452, %dma_wait3A_1459, %dma_wait3A_1460] : memref<16384x56x128xf32, #tpu.memory_space<hbm>> -> memref<1x50x64xf32, #tpu.memory_space<hbm>>
      %dma_wait3A_1462 = tpu.memref_squeeze %dma_wait3A_1461 : memref<1x50x64xf32, #tpu.memory_space<hbm>> -> memref<50x64xf32, #tpu.memory_space<hbm>>
      %dma_wait3A_1463 = arith.constant 0 : i32
      %dma_wait3A_1464 = arith.constant 0 : i32
      %dma_wait3A_1465 = tpu.memref_slice %arg4[%add3A_1452, %dma_wait3A_1463, %dma_wait3A_1464] : memref<16384x56x128xf32, #tpu.memory_space<hbm>> -> memref<1x50x64xf32, #tpu.memory_space<hbm>>
      %dma_wait3A_1466 = tpu.memref_squeeze %dma_wait3A_1465 : memref<1x50x64xf32, #tpu.memory_space<hbm>> -> memref<50x64xf32, #tpu.memory_space<hbm>>
      %dma_wait3A_1467 = arith.constant 0 : i32
      %dma_wait3A_1468 = arith.constant 0 : i32
      %dma_wait3A_1469 = tpu.memref_slice %arg6[%dma_wait3A_1453, %dma_wait3A_1454, %dma_wait3A_1467, %dma_wait3A_1468] : memref<2x2x200x64xf32, #tpu.memory_space<vmem>> -> memref<1x1x50x64xf32, #tpu.memory_space<vmem>>
      %dma_wait3A_1470 = tpu.memref_squeeze %dma_wait3A_1469 : memref<1x1x50x64xf32, #tpu.memory_space<vmem>> -> memref<50x64xf32, #tpu.memory_space<vmem>>
      tpu.wait_dma2 semaphore(%arg10 : memref<!tpu.dma_semaphore, #tpu.memory_space<semaphore_mem>>) src(%dma_wait3A_1470 : memref<50x64xf32, #tpu.memory_space<vmem>>) dst(%dma_wait3A_1466 : memref<50x64xf32, #tpu.memory_space<hbm>>)
      %add3A_1471 = arith.addi %mul3A_2, %mul3A_1425 : i32
      %jit3A_1472 = arith.constant 50 : i32
      %div3A_1473 = arith.divsi %add3A_1471, %jit3A_1472 : i32
      %sign3A_1474 = arith.constant 0 : i32
      %sign3A_1475 = arith.cmpi sgt, %add3A_1471, %sign3A_1474 : i32
      %sign3A_1476 = arith.extui %sign3A_1475 : i1 to i32
      %sign3A_1477 = arith.constant 0 : i32
      %sign3A_1478 = arith.cmpi slt, %add3A_1471, %sign3A_1477 : i32
      %sign3A_1479 = arith.extui %sign3A_1478 : i1 to i32
      %sign3A_1480 = arith.subi %sign3A_1476, %sign3A_1479 : i32
      %sign3A_1481 = arith.constant 0 : i32
      %sign3A_1482 = arith.cmpi sgt, %jit3A_1472, %sign3A_1481 : i32
      %sign3A_1483 = arith.extui %sign3A_1482 : i1 to i32
      %sign3A_1484 = arith.constant 0 : i32
      %sign3A_1485 = arith.cmpi slt, %jit3A_1472, %sign3A_1484 : i32
      %sign3A_1486 = arith.extui %sign3A_1485 : i1 to i32
      %sign3A_1487 = arith.subi %sign3A_1483, %sign3A_1486 : i32
      %ne3A_1488 = arith.cmpi ne, %sign3A_1480, %sign3A_1487 : i32
      %rem3A_1489 = arith.remsi %add3A_1471, %jit3A_1472 : i32
      %ne3A_1490 = arith.constant 0 : i32
      %ne3A_1491 = arith.cmpi ne, %rem3A_1489, %ne3A_1490 : i32
      %and3A_1492 = arith.andi %ne3A_1488, %ne3A_1491 : i1
      %sub3A_1493 = arith.constant 1 : i32
      %sub3A_1494 = arith.subi %div3A_1473, %sub3A_1493 : i32
      %select_n3A_1495 = arith.select %and3A_1492, %sub3A_1494, %div3A_1473 : i32
      %add3A_1496 = arith.constant 1 : i32
      %add3A_1497 = arith.addi %select_n3A_1495, %add3A_1496 : i32
      %dma_wait3A_1498 = arith.constant 1 : i32
      %dma_wait3A_1499 = arith.constant 1 : i32
      %dma_wait3A_1500 = arith.constant 50 : i32
      %dma_wait3A_1501 = arith.constant 0 : i32
      %dma_wait3A_1502 = tpu.memref_slice %arg6[%dma_wait3A_1498, %dma_wait3A_1499, %dma_wait3A_1500, %dma_wait3A_1501] : memref<2x2x200x64xf32, #tpu.memory_space<vmem>> -> memref<1x1x50x64xf32, #tpu.memory_space<vmem>>
      %dma_wait3A_1503 = tpu.memref_squeeze %dma_wait3A_1502 : memref<1x1x50x64xf32, #tpu.memory_space<vmem>> -> memref<50x64xf32, #tpu.memory_space<vmem>>
      %dma_wait3A_1504 = arith.constant 0 : i32
      %dma_wait3A_1505 = arith.constant 0 : i32
      %dma_wait3A_1506 = tpu.memref_slice %arg4[%add3A_1497, %dma_wait3A_1504, %dma_wait3A_1505] : memref<16384x56x128xf32, #tpu.memory_space<hbm>> -> memref<1x50x64xf32, #tpu.memory_space<hbm>>
      %dma_wait3A_1507 = tpu.memref_squeeze %dma_wait3A_1506 : memref<1x50x64xf32, #tpu.memory_space<hbm>> -> memref<50x64xf32, #tpu.memory_space<hbm>>
      %dma_wait3A_1508 = arith.constant 0 : i32
      %dma_wait3A_1509 = arith.constant 0 : i32
      %dma_wait3A_1510 = tpu.memref_slice %arg4[%add3A_1497, %dma_wait3A_1508, %dma_wait3A_1509] : memref<16384x56x128xf32, #tpu.memory_space<hbm>> -> memref<1x50x64xf32, #tpu.memory_space<hbm>>
      %dma_wait3A_1511 = tpu.memref_squeeze %dma_wait3A_1510 : memref<1x50x64xf32, #tpu.memory_space<hbm>> -> memref<50x64xf32, #tpu.memory_space<hbm>>
      %dma_wait3A_1512 = arith.constant 50 : i32
      %dma_wait3A_1513 = arith.constant 0 : i32
      %dma_wait3A_1514 = tpu.memref_slice %arg6[%dma_wait3A_1498, %dma_wait3A_1499, %dma_wait3A_1512, %dma_wait3A_1513] : memref<2x2x200x64xf32, #tpu.memory_space<vmem>> -> memref<1x1x50x64xf32, #tpu.memory_space<vmem>>
      %dma_wait3A_1515 = tpu.memref_squeeze %dma_wait3A_1514 : memref<1x1x50x64xf32, #tpu.memory_space<vmem>> -> memref<50x64xf32, #tpu.memory_space<vmem>>
      tpu.wait_dma2 semaphore(%arg10 : memref<!tpu.dma_semaphore, #tpu.memory_space<semaphore_mem>>) src(%dma_wait3A_1515 : memref<50x64xf32, #tpu.memory_space<vmem>>) dst(%dma_wait3A_1511 : memref<50x64xf32, #tpu.memory_space<hbm>>)
      %add3A_1516 = arith.addi %mul3A_2, %mul3A_1425 : i32
      %jit3A_1517 = arith.constant 50 : i32
      %div3A_1518 = arith.divsi %add3A_1516, %jit3A_1517 : i32
      %sign3A_1519 = arith.constant 0 : i32
      %sign3A_1520 = arith.cmpi sgt, %add3A_1516, %sign3A_1519 : i32
      %sign3A_1521 = arith.extui %sign3A_1520 : i1 to i32
      %sign3A_1522 = arith.constant 0 : i32
      %sign3A_1523 = arith.cmpi slt, %add3A_1516, %sign3A_1522 : i32
      %sign3A_1524 = arith.extui %sign3A_1523 : i1 to i32
      %sign3A_1525 = arith.subi %sign3A_1521, %sign3A_1524 : i32
      %sign3A_1526 = arith.constant 0 : i32
      %sign3A_1527 = arith.cmpi sgt, %jit3A_1517, %sign3A_1526 : i32
      %sign3A_1528 = arith.extui %sign3A_1527 : i1 to i32
      %sign3A_1529 = arith.constant 0 : i32
      %sign3A_1530 = arith.cmpi slt, %jit3A_1517, %sign3A_1529 : i32
      %sign3A_1531 = arith.extui %sign3A_1530 : i1 to i32
      %sign3A_1532 = arith.subi %sign3A_1528, %sign3A_1531 : i32
      %ne3A_1533 = arith.cmpi ne, %sign3A_1525, %sign3A_1532 : i32
      %rem3A_1534 = arith.remsi %add3A_1516, %jit3A_1517 : i32
      %ne3A_1535 = arith.constant 0 : i32
      %ne3A_1536 = arith.cmpi ne, %rem3A_1534, %ne3A_1535 : i32
      %and3A_1537 = arith.andi %ne3A_1533, %ne3A_1536 : i1
      %sub3A_1538 = arith.constant 1 : i32
      %sub3A_1539 = arith.subi %div3A_1518, %sub3A_1538 : i32
      %select_n3A_1540 = arith.select %and3A_1537, %sub3A_1539, %div3A_1518 : i32
      %add3A_1541 = arith.constant 2 : i32
      %add3A_1542 = arith.addi %select_n3A_1540, %add3A_1541 : i32
      %dma_wait3A_1543 = arith.constant 1 : i32
      %dma_wait3A_1544 = arith.constant 1 : i32
      %dma_wait3A_1545 = arith.constant 100 : i32
      %dma_wait3A_1546 = arith.constant 0 : i32
      %dma_wait3A_1547 = tpu.memref_slice %arg6[%dma_wait3A_1543, %dma_wait3A_1544, %dma_wait3A_1545, %dma_wait3A_1546] : memref<2x2x200x64xf32, #tpu.memory_space<vmem>> -> memref<1x1x50x64xf32, #tpu.memory_space<vmem>>
      %dma_wait3A_1548 = tpu.memref_squeeze %dma_wait3A_1547 : memref<1x1x50x64xf32, #tpu.memory_space<vmem>> -> memref<50x64xf32, #tpu.memory_space<vmem>>
      %dma_wait3A_1549 = arith.constant 0 : i32
      %dma_wait3A_1550 = arith.constant 0 : i32
      %dma_wait3A_1551 = tpu.memref_slice %arg4[%add3A_1542, %dma_wait3A_1549, %dma_wait3A_1550] : memref<16384x56x128xf32, #tpu.memory_space<hbm>> -> memref<1x50x64xf32, #tpu.memory_space<hbm>>
      %dma_wait3A_1552 = tpu.memref_squeeze %dma_wait3A_1551 : memref<1x50x64xf32, #tpu.memory_space<hbm>> -> memref<50x64xf32, #tpu.memory_space<hbm>>
      %dma_wait3A_1553 = arith.constant 0 : i32
      %dma_wait3A_1554 = arith.constant 0 : i32
      %dma_wait3A_1555 = tpu.memref_slice %arg4[%add3A_1542, %dma_wait3A_1553, %dma_wait3A_1554] : memref<16384x56x128xf32, #tpu.memory_space<hbm>> -> memref<1x50x64xf32, #tpu.memory_space<hbm>>
      %dma_wait3A_1556 = tpu.memref_squeeze %dma_wait3A_1555 : memref<1x50x64xf32, #tpu.memory_space<hbm>> -> memref<50x64xf32, #tpu.memory_space<hbm>>
      %dma_wait3A_1557 = arith.constant 100 : i32
      %dma_wait3A_1558 = arith.constant 0 : i32
      %dma_wait3A_1559 = tpu.memref_slice %arg6[%dma_wait3A_1543, %dma_wait3A_1544, %dma_wait3A_1557, %dma_wait3A_1558] : memref<2x2x200x64xf32, #tpu.memory_space<vmem>> -> memref<1x1x50x64xf32, #tpu.memory_space<vmem>>
      %dma_wait3A_1560 = tpu.memref_squeeze %dma_wait3A_1559 : memref<1x1x50x64xf32, #tpu.memory_space<vmem>> -> memref<50x64xf32, #tpu.memory_space<vmem>>
      tpu.wait_dma2 semaphore(%arg10 : memref<!tpu.dma_semaphore, #tpu.memory_space<semaphore_mem>>) src(%dma_wait3A_1560 : memref<50x64xf32, #tpu.memory_space<vmem>>) dst(%dma_wait3A_1556 : memref<50x64xf32, #tpu.memory_space<hbm>>)
      %add3A_1561 = arith.addi %mul3A_2, %mul3A_1425 : i32
      %jit3A_1562 = arith.constant 50 : i32
      %div3A_1563 = arith.divsi %add3A_1561, %jit3A_1562 : i32
      %sign3A_1564 = arith.constant 0 : i32
      %sign3A_1565 = arith.cmpi sgt, %add3A_1561, %sign3A_1564 : i32
      %sign3A_1566 = arith.extui %sign3A_1565 : i1 to i32
      %sign3A_1567 = arith.constant 0 : i32
      %sign3A_1568 = arith.cmpi slt, %add3A_1561, %sign3A_1567 : i32
      %sign3A_1569 = arith.extui %sign3A_1568 : i1 to i32
      %sign3A_1570 = arith.subi %sign3A_1566, %sign3A_1569 : i32
      %sign3A_1571 = arith.constant 0 : i32
      %sign3A_1572 = arith.cmpi sgt, %jit3A_1562, %sign3A_1571 : i32
      %sign3A_1573 = arith.extui %sign3A_1572 : i1 to i32
      %sign3A_1574 = arith.constant 0 : i32
      %sign3A_1575 = arith.cmpi slt, %jit3A_1562, %sign3A_1574 : i32
      %sign3A_1576 = arith.extui %sign3A_1575 : i1 to i32
      %sign3A_1577 = arith.subi %sign3A_1573, %sign3A_1576 : i32
      %ne3A_1578 = arith.cmpi ne, %sign3A_1570, %sign3A_1577 : i32
      %rem3A_1579 = arith.remsi %add3A_1561, %jit3A_1562 : i32
      %ne3A_1580 = arith.constant 0 : i32
      %ne3A_1581 = arith.cmpi ne, %rem3A_1579, %ne3A_1580 : i32
      %and3A_1582 = arith.andi %ne3A_1578, %ne3A_1581 : i1
      %sub3A_1583 = arith.constant 1 : i32
      %sub3A_1584 = arith.subi %div3A_1563, %sub3A_1583 : i32
      %select_n3A_1585 = arith.select %and3A_1582, %sub3A_1584, %div3A_1563 : i32
      %add3A_1586 = arith.constant 3 : i32
      %add3A_1587 = arith.addi %select_n3A_1585, %add3A_1586 : i32
      %dma_wait3A_1588 = arith.constant 1 : i32
      %dma_wait3A_1589 = arith.constant 1 : i32
      %dma_wait3A_1590 = arith.constant 150 : i32
      %dma_wait3A_1591 = arith.constant 0 : i32
      %dma_wait3A_1592 = tpu.memref_slice %arg6[%dma_wait3A_1588, %dma_wait3A_1589, %dma_wait3A_1590, %dma_wait3A_1591] : memref<2x2x200x64xf32, #tpu.memory_space<vmem>> -> memref<1x1x50x64xf32, #tpu.memory_space<vmem>>
      %dma_wait3A_1593 = tpu.memref_squeeze %dma_wait3A_1592 : memref<1x1x50x64xf32, #tpu.memory_space<vmem>> -> memref<50x64xf32, #tpu.memory_space<vmem>>
      %dma_wait3A_1594 = arith.constant 0 : i32
      %dma_wait3A_1595 = arith.constant 0 : i32
      %dma_wait3A_1596 = tpu.memref_slice %arg4[%add3A_1587, %dma_wait3A_1594, %dma_wait3A_1595] : memref<16384x56x128xf32, #tpu.memory_space<hbm>> -> memref<1x50x64xf32, #tpu.memory_space<hbm>>
      %dma_wait3A_1597 = tpu.memref_squeeze %dma_wait3A_1596 : memref<1x50x64xf32, #tpu.memory_space<hbm>> -> memref<50x64xf32, #tpu.memory_space<hbm>>
      %dma_wait3A_1598 = arith.constant 0 : i32
      %dma_wait3A_1599 = arith.constant 0 : i32
      %dma_wait3A_1600 = tpu.memref_slice %arg4[%add3A_1587, %dma_wait3A_1598, %dma_wait3A_1599] : memref<16384x56x128xf32, #tpu.memory_space<hbm>> -> memref<1x50x64xf32, #tpu.memory_space<hbm>>
      %dma_wait3A_1601 = tpu.memref_squeeze %dma_wait3A_1600 : memref<1x50x64xf32, #tpu.memory_space<hbm>> -> memref<50x64xf32, #tpu.memory_space<hbm>>
      %dma_wait3A_1602 = arith.constant 150 : i32
      %dma_wait3A_1603 = arith.constant 0 : i32
      %dma_wait3A_1604 = tpu.memref_slice %arg6[%dma_wait3A_1588, %dma_wait3A_1589, %dma_wait3A_1602, %dma_wait3A_1603] : memref<2x2x200x64xf32, #tpu.memory_space<vmem>> -> memref<1x1x50x64xf32, #tpu.memory_space<vmem>>
      %dma_wait3A_1605 = tpu.memref_squeeze %dma_wait3A_1604 : memref<1x1x50x64xf32, #tpu.memory_space<vmem>> -> memref<50x64xf32, #tpu.memory_space<vmem>>
      tpu.wait_dma2 semaphore(%arg10 : memref<!tpu.dma_semaphore, #tpu.memory_space<semaphore_mem>>) src(%dma_wait3A_1605 : memref<50x64xf32, #tpu.memory_space<vmem>>) dst(%dma_wait3A_1601 : memref<50x64xf32, #tpu.memory_space<hbm>>)
      %add3A_1606 = arith.constant 3 : i32
      %add3A_1607 = arith.addi %add3A_54, %add3A_1606 : i32
      %lt3A_1608 = arith.constant 64 : i32
      %lt3A_1609 = arith.cmpi slt, %add3A_1607, %lt3A_1608 : i32
      %convert_element_type3A_1610 = arith.extui %lt3A_1609 : i1 to i32
      %cond3A_1611 = arith.constant 0 : i32
      %cond3A_1612 = arith.cmpi ne, %convert_element_type3A_1610, %cond3A_1611 : i32
      scf.if %cond3A_1612 {
        %add3A_1613 = arith.constant 3 : i32
        %add3A_1614 = arith.addi %add3A_54, %add3A_1613 : i32
        %mul3A_1615 = arith.constant 2 : i32
        %mul3A_1616 = arith.muli %add3A_1614, %mul3A_1615 : i32
        %add3A_1617 = arith.constant 0 : i32
        %add3A_1618 = arith.addi %mul3A_1616, %add3A_1617 : i32
        %mul3A_1619 = arith.constant 200 : i32
        %mul3A_1620 = arith.muli %add3A_1618, %mul3A_1619 : i32
        %dma_start3A_1621 = arith.constant 1 : i32
        %dma_start3A_1622 = arith.constant 0 : i32
        %dma_start3A_1623 = arith.constant 0 : i32
        %dma_start3A_1624 = arith.constant 0 : i32
        %dma_start3A_1625 = tpu.memref_slice %arg6[%dma_start3A_1621, %dma_start3A_1622, %dma_start3A_1623, %dma_start3A_1624] : memref<2x2x200x64xf32, #tpu.memory_space<vmem>> -> memref<1x1x200x64xf32, #tpu.memory_space<vmem>>
        %dma_start3A_1626 = tpu.memref_squeeze %dma_start3A_1625 : memref<1x1x200x64xf32, #tpu.memory_space<vmem>> -> memref<200x64xf32, #tpu.memory_space<vmem>>
        %dma_start3A_1627 = tpu.memref_slice %arg5[%mul3A_1620] : memref<25600xi32, #tpu.memory_space<vmem>> -> memref<200xi32, #tpu.memory_space<vmem>>
        %dma_start3A_1628 = arith.constant 0 : i32
        %dma_start3A_1629 = arith.constant 0 : i32
        %dma_start3A_1630 = tpu.memref_slice %arg2[%dma_start3A_1628, %dma_start3A_1629] : memref<2000000x64xf32, #tpu.memory_space<hbm>> -> memref<2000000x64xf32, #tpu.memory_space<hbm>>
        tpu.enqueue_indirect_dma source(%dma_start3A_1630 : memref<2000000x64xf32, #tpu.memory_space<hbm>>) target(%dma_start3A_1626 : memref<200x64xf32, #tpu.memory_space<vmem>>) offsets(%dma_start3A_1627 : memref<200xi32, #tpu.memory_space<vmem>>) semaphore(%arg9 : memref<!tpu.dma_semaphore, #tpu.memory_space<semaphore_mem>>)
        %mul3A_1631 = arith.constant 2 : i32
        %mul3A_1632 = arith.muli %add3A_1614, %mul3A_1631 : i32
        %add3A_1633 = arith.constant 1 : i32
        %add3A_1634 = arith.addi %mul3A_1632, %add3A_1633 : i32
        %mul3A_1635 = arith.constant 200 : i32
        %mul3A_1636 = arith.muli %add3A_1634, %mul3A_1635 : i32
        %dma_start3A_1637 = arith.constant 1 : i32
        %dma_start3A_1638 = arith.constant 1 : i32
        %dma_start3A_1639 = arith.constant 0 : i32
        %dma_start3A_1640 = arith.constant 0 : i32
        %dma_start3A_1641 = tpu.memref_slice %arg6[%dma_start3A_1637, %dma_start3A_1638, %dma_start3A_1639, %dma_start3A_1640] : memref<2x2x200x64xf32, #tpu.memory_space<vmem>> -> memref<1x1x200x64xf32, #tpu.memory_space<vmem>>
        %dma_start3A_1642 = tpu.memref_squeeze %dma_start3A_1641 : memref<1x1x200x64xf32, #tpu.memory_space<vmem>> -> memref<200x64xf32, #tpu.memory_space<vmem>>
        %dma_start3A_1643 = tpu.memref_slice %arg5[%mul3A_1636] : memref<25600xi32, #tpu.memory_space<vmem>> -> memref<200xi32, #tpu.memory_space<vmem>>
        %dma_start3A_1644 = arith.constant 0 : i32
        %dma_start3A_1645 = arith.constant 0 : i32
        %dma_start3A_1646 = tpu.memref_slice %arg2[%dma_start3A_1644, %dma_start3A_1645] : memref<2000000x64xf32, #tpu.memory_space<hbm>> -> memref<2000000x64xf32, #tpu.memory_space<hbm>>
        tpu.enqueue_indirect_dma source(%dma_start3A_1646 : memref<2000000x64xf32, #tpu.memory_space<hbm>>) target(%dma_start3A_1642 : memref<200x64xf32, #tpu.memory_space<vmem>>) offsets(%dma_start3A_1643 : memref<200xi32, #tpu.memory_space<vmem>>) semaphore(%arg9 : memref<!tpu.dma_semaphore, #tpu.memory_space<semaphore_mem>>)
      } else {
      }
    }
    %scan3A_49 = arith.constant 32 : i32
    return
  }
}

</mosaic_0001>

<sc_bundles>
// kernel: kernel.3.cloned.1.call-start
scs
__scs_entry_jumppad:
0x0: {  	(pc) =	sbr.rel $0x88, $3  }
0x1: {  	(tag) =	ssettag $0x0;
	lr =	simm.s32 $0x1  }
0x2: {  	[smem:$0x3F9F] =	sst lr;
	_ =	strace $0xD0000000  }
0x3: {  	_ = 	snop  }
0x4: {  	_ = 	snop  }
0x5: {  	_ = 	snop  }
0x6: {  	_ = 	snop  }
0x7: {  	_ = 	snop  }
__scs_overlays_trampoline_lowered:
0x8: {  	[smem:$0x3FAE] =	sst s0  }
0x9: {  	[smem:$0x3FAF] =	sst s1  }
0xa: {  	[smem:$0x3FB0] =	sst s2  }
0xb: {  	[smem:$0x3FB1] =	sst s3  }
0xc: {  	[smem:$0x3FB2] =	sst s4  }
0xd: {  	[smem:$0x3FB3] =	sst s5  }
0xe: {  	[smem:$0x3FB4] =	sst s6  }
0xf: {  	[smem:$0x3FB5] =	sst s7  }
0x10: {  	[smem:$0x3FB6] =	sst s8  }
0x11: {  	[smem:$0x3FB7] =	sst s9;
	s0 =	simm.s32 @!p0 $0x0  }
0x12: {  	s1 =	sld [smem:$0x3F9D];
	s0 =	simm.s32 @p0 $0x1  }
0x13: {  	[smem:$0x3FB8] =	sst s0;
	s0 =	simm.s32 @!p1 $0x0  }
0x14: {  	s2 =	sld [smem:$0x3F9C];
	s0 =	simm.s32 @p1 $0x1  }
0x15: {  	[smem:$0x3FB9] =	sst s0;
	s0 =	simm.s32 @!p2 $0x0  }
0x16: {  	s3 =	sld [smem:$0x3FDB];
	s0 =	simm.s32 @p2 $0x1  }
0x17: {  	s4 =	simm.s32 $0x1BF5;
	[smem:$0x3FBB] =	sst s0  }
0x18: {  	s0 =	sld [smem:$0x3F9E];
	_ =	swait.ge [sflag:s4], $0x0  }
0x19: {  	s7 =	sld [smem:$0x3F9F]  }
0x1a: {  	s8 =	sadd.s32 $0xFFFFE003, lr  }
0x1b: {  	s9 =	sadd.s32 $0xFFFFFEF7, lr;
	s5 =	simm.s32 $0xFFFFFFFF;
	p2 =	slt.u32 s8, $0xFFFFF086  }
0x1c: {  	p1 =	slt.u32 s9, $0xF7A;
	s5 =	simm.s32 @!p2 $0x0  }
0x1d: {  	s5 =	simm.s32 @p1 $0x1;
	p0 =	seq.s32 s7, s2  }
0x1e: {  	s7 =	smul.u32 @!p0 $0xF7A, s2;
	p2 =	seq.s32 @!p0 s5, $0x0  }
0x1f: {  	s9 =	smul.u32 $0xF7A, s1;
	s8 =	simm.s32 @!p0 $0x1BF5;
	p2 =	por !p2, p0  }
0x20: {  	[sflag:s8] =	ssyncset.s32 @!p0 $0xFFFFF086;
	s6 =	sadd.s32 @!p0 s3, s7;
	s7 =	simm.s32 @!p0 $0x108  }
0x21: {  	s3 =	sadd.s32 s3, s9;
	s6 =	sadd.s32 @!p0 $0x88, s6;
	s7 =	simm.s32 @p2 $0x1082  }
0x22: {  	[simem:s7], [sflag:s8] =	dma.local @!p0 [hbm:s6], $0xF7A  }
0x23: {  	s9 =	sor.u32 $0xD0000000, s2;
	s6 =	simm.s32 $0x108;
	_ =	swait.ge @!p0 [sflag:s8], $0x0  }
0x24: {  	s3 =	sadd.s32 $0x88, s3;
	s6 =	simm.s32 @!p1 $0x1082;
	[sflag:s4] =	ssyncset.s32 $0xFFFFF086  }
0x25: {  	[simem:s6], [sflag:s4] =	dma.local [hbm:s3], $0xF7A  }
0x26: {  	[smem:$0x3F9F] =	sst s1;
	(tag) =	ssettag s2;
	_ =	strace s9  }
0x27: {  	s1 =	sld [smem:$0x3FAF]  }
0x28: {  	s2 =	sld [smem:$0x3FB0]  }
0x29: {  	s4 =	sld [smem:$0x3FB2]  }
0x2a: {  	p0 =	seq.s32 s5, $0x0;
	s5 =	sld [smem:$0x3FB3]  }
0x2b: {  	s6 =	sld [smem:$0x3FB4]  }
0x2c: {  	s7 =	sld [smem:$0x3FB5]  }
0x2d: {  	s3 =	simm.s32 $0x108;
	s8 =	sld [smem:$0x3FB6]  }
0x2e: {  	s3 =	simm.s32 @!p0 $0x1082;
	s9 =	sld [smem:$0x3FB7]  }
0x2f: {  	lr =	sadd.s32 s0, s3;
	s0 =	sld [smem:$0x3FAE]  }
0x30: {  	s3 =	sld [smem:$0x3FB1]  }
0x31: {  	[smem:$0x3FBA] =	sst s10  }
0x32: {  	s10 =	sld [smem:$0x3FB8];
	_ =	sdelay $0x3  }
0x33: {  	p0 =	seq.s32 s10, $0x1;
	s10 =	sld [smem:$0x3FBA];
	_ =	sdelay $0x3  }
0x34: {  	[smem:$0x3FBA] =	sst s10  }
0x35: {  	s10 =	sld [smem:$0x3FB9];
	_ =	sdelay $0x3  }
0x36: {  	p1 =	seq.s32 s10, $0x1;
	s10 =	sld [smem:$0x3FBA];
	_ =	sdelay $0x3  }
0x37: {  	[smem:$0x3FBA] =	sst s10  }
0x38: {  	s10 =	sld [smem:$0x3FBB]  }
0x39: {  	_ = 	snop;
	(pc) =	sbr.ind lr, $3  }
0x3a: {  	_ = 	snop  }
0x3b: {  	_ = 	snop  }
0x3c: {  	p2 =	seq.s32 s10, $0x1;
	s10 =	sld [smem:$0x3FBA]  }
0x3d: {  	_ =	shalt  }
0x3e: {  	_ =	shalt  }
0x3f: {  	_ =	shalt  }
0x40: {  	_ =	shalt  }
0x41: {  	_ =	shalt  }
0x42: {  	_ =	shalt  }
0x43: {  	_ =	shalt  }
0x44: {  	_ =	shalt  }
0x45: {  	_ =	shalt  }
0x46: {  	_ =	shalt  }
0x47: {  	_ =	shalt  }
0x48: {  	_ =	shalt  }
0x49: {  	_ =	shalt  }
0x4a: {  	_ =	shalt  }
0x4b: {  	_ =	shalt  }
0x4c: {  	_ =	shalt  }
0x4d: {  	_ =	shalt  }
0x4e: {  	_ =	shalt  }
0x4f: {  	_ =	shalt  }
0x50: {  	_ =	shalt  }
0x51: {  	_ =	shalt  }
0x52: {  	_ =	shalt  }
0x53: {  	_ =	shalt  }
0x54: {  	_ =	shalt  }
0x55: {  	_ =	shalt  }
0x56: {  	_ =	shalt  }
0x57: {  	_ =	shalt  }
0x58: {  	_ =	shalt  }
0x59: {  	_ =	shalt  }
0x5a: {  	_ =	shalt  }
0x5b: {  	_ =	shalt  }
0x5c: {  	_ =	shalt  }
0x5d: {  	_ =	shalt  }
0x5e: {  	_ =	shalt  }
0x5f: {  	_ =	shalt  }
0x60: {  	_ =	shalt  }
0x61: {  	_ =	shalt  }
0x62: {  	_ =	shalt  }
0x63: {  	_ =	shalt  }
0x64: {  	_ =	shalt  }
0x65: {  	_ =	shalt  }
0x66: {  	_ =	shalt  }
0x67: {  	_ =	shalt  }
0x68: {  	_ =	shalt  }
0x69: {  	_ =	shalt  }
0x6a: {  	_ =	shalt  }
0x6b: {  	_ =	shalt  }
0x6c: {  	_ =	shalt  }
0x6d: {  	_ =	shalt  }
0x6e: {  	_ =	shalt  }
0x6f: {  	_ =	shalt  }
0x70: {  	_ =	shalt  }
0x71: {  	_ =	shalt  }
0x72: {  	_ =	shalt  }
0x73: {  	_ =	shalt  }
0x74: {  	_ =	shalt  }
0x75: {  	_ =	shalt  }
0x76: {  	_ =	shalt  }
0x77: {  	_ =	shalt  }
0x78: {  	_ =	shalt  }
0x79: {  	_ =	shalt  }
0x7a: {  	_ =	shalt  }
0x7b: {  	_ =	shalt  }
0x7c: {  	_ =	shalt  }
0x7d: {  	_ =	shalt  }
0x7e: {  	_ =	shalt  }
0x7f: {  	_ =	shalt  }
0x80: {  	_ =	shalt  }
0x81: {  	_ =	shalt  }
0x82: {  	_ =	shalt  }
0x83: {  	_ =	shalt  }
0x84: {  	_ =	shalt  }
0x85: {  	_ =	shalt  }
0x86: {  	_ =	shalt  }
0x87: {  	_ =	shalt  }
.Lfunc_end0:
.L_simem_size_0:
called_computation.2_lowered:
.L_overlay_start_0:
0x88: {  	s2 =	sld [smem:$0x3FD9]  }
0x89: {  	s3 =	sld [smem:$0x3FFE];
	_ =	sdelay $0x1  }
0x8a: {  	s1 =	srdreg.scid  }
0x8b: {  	s0 =	sand.u32 $0x1, s1  }
0x8c: {  	s17 =	sshll.u32 s0, $0xA;
	s2 =	sadd.s32 s3, s2  }
0x8d: {  	s2 =	sadd.s32 s2, s17  }
0x8e: {  	[smem:$0x3FC6] =	sst s2  }
0x8f: {  	_ = 	snop  }
0x90: {  	s2 =	sld [smem:$0x3FD0];
	(tm) =	ssettm $0x1  }
0x91: {  	s18 =	sld [smem:$0x3FFB];
	_ =	sdelay $0x3  }
0x92: {  	_ =	strace s18  }
0x93: {  	s3 =	sld [smem:$0x3FFC];
	_ =	sdelay $0x3  }
0x94: {  	_ =	strace s3  }
0x95: {  	s3 =	sld [smem:$0x3FFD];
	_ =	sdelay $0x3  }
0x96: {  	_ =	strace s3  }
0x97: {  	_ =	strace $0x8FFFFFFF  }
0x98: {  	s19 =	sld [smem:$0x3FDB];
	_ =	sdelay $0x1  }
0x99: {  	s4 =	simm.s32 $_scs_section_size  }
0x9a: {  	s5 =	simm.s32 $_size__tile_overlayer_lowered;
	s6 =	simm.s32 $_tile_overlayer_lowered  }
0x9b: {  	s22 =	simm.s32 $0x1BFF;
	s21 =	sshll.u32 s6, $0x1;
	s3 =	sadd.s32 s4, s19  }
0x9c: {  	s7 =	simm.s32 $0x0;
	s20 =	sshll.u32 s5, $0x1;
	s5 =	sadd.s32 s21, s3  }
0x9d: {  	[timem:s7], [sflag:s22] =	dma.local [hbm:s5], s20  }
0x9e: {  	_ =	swait.ge [sflag:s22], s20  }
0x9f: {  	s4 =	ssub.s32 $0x0, s20;
	[sflag:s22] =	ssyncset.done $0x0  }
0xa0: {  	[sflag:s22] =	ssyncadd.s32 s4;
	_ =	sdelay $0x1  }
0xa1: {  	s23 =	simm.s32 $0x1B8B  }
0xa2: {  	_ =	swait.ge [sflag:s23], $0x1  }
0xa3: {  	[sflag:s23] =	ssyncset.done $0x0  }
0xa4: {  	s25 =	simm.s32 $0x1B8E;
	s24 =	sld [smem:$0x3FFE];
	[sflag:s23] =	ssyncadd.s32 $0xFFFFFFFF  }
0xa5: {  	s26 =	simm.s32 $execute0_lowered;
	[smem:$0x3FD2] =	sst s25  }
0xa6: {  	s5 =	sshll.u32 s26, $0x1;
	_ =	strace $0x80000049;
	[dreg:$0x1] =	wrdreg $0xFFFFFFFF  }
0xa7: {  	s28 =	simm.s32 $_size_execute0_lowered;
	s3 =	sadd.s32 s3, s5;
	[dreg:$0x0] =	wrdreg $0x0  }
0xa8: {  	s5 =	sshll.u32 s28, $0x1;
	[dreg:$0x2] =	wrdreg s3  }
0xa9: {  	[dreg:$0x3] =	wrdreg s5  }
0xaa: {  	[dreg:$0x4] =	wrdreg $0xC0  }
0xab: {  	_ =	task [dreg:s7], $0x5FFFF  }
0xac: {  	[dreg:$0x1] =	wrdreg $0xFFFFFFFF  }
0xad: {  	[dreg:$0x0] =	wrdreg $0x60  }
0xae: {  	[dreg:$0x2] =	wrdreg s24  }
0xaf: {  	[dreg:$0x3] =	wrdreg s2  }
0xb0: {  	[dreg:$0x4] =	wrdreg $0x9  }
0xb1: {  	_ =	task.clear_ibuf [dreg:s7], $0x5FFFF;
	_ =	strace $0x90000049  }
0xb2: {  	s29 =	simm.s32 $0x9;
	_ =	strace $0x8000004B  }
0xb3: {  	_ =	swait.ge [sflag:s29], $0x1  }
0xb4: {  	[sflag:s29] =	ssyncadd.s32 $0xFFFFFFFF  }
0xb5: {  	_ =	strace $0x9000004B  }
0xb6: {  	_ =	sfence  }
0xb7: {  	s30 =	sld [smem:$0x0];
	_ =	sdelay $0x2  }
0xb8: {  	s31 =	sshll.u32 s1, $0xD;
	s1 =	sshrl.u32 s1, $0x2  }
0xb9: {  	s3 =	sand.u32 $0x4000, s31;
	s1 =	sadd.s32 s1, s30  }
0xba: {  	s0 =	sor.u32 s3, s0;
	s1 =	sshll.u32 s1, $0x11  }
0xbb: {  	s0 =	sor.u32 s1, s0  }
0xbc: {  	s0 =	sadd.s32 $0x8F2B, s0  }
0xbd: {  	[sflag:s0] =	ssyncadd.remote.s32 $0x1  }
0xbe: {  	_ =	sfence.sel $0xFFFF  }
0xbf: {  	[dreg:$0x0] =	wrdreg $0xFFFFFFFF;
	(pc) =	sbr.abs _section_cstart, $3  }
0xc0: {  	[dreg:$0x1] =	wrdreg $0xFFFFFFFF  }
0xc1: {  	_ =	task.clear_ibuf [dreg:s7], $0x2FFFF;
	_ =	strace $0x9FFFFFFF  }
0xc2: {  	(tm) =	ssettm $0x7FFFFFFF  }
0xc3: {  	_ =	shalt  }
tec
execute0_lowered:
.L_overlay_start_1:
0x0: {  	(tag) =	ssettag $0x1  }
0x1: {  	s0 =	srdreg.scid;
	s4 =	rddreg [dreg:$0x0]  }
0x2: {  	s3 =	stileid.u32;
	s6 =	rddreg [dreg:$0x1];
	s8 =	simm.s32 $0x0  }
0x3: {  	s11 =	simm.s32 $0xC8;
	s15 =	simm.s32 $0xC800;
	s17 =	simm.s32 $0xFA00  }
0x4: {  	s18 =	simm.s32 $0x1;
	s19 =	simm.s32 $0x40;
	s20 =	simm.s32 $0x80  }
0x5: {  	s21 =	simm.s32 $0x7080;
	s22 =	simm.s32 $0x7D00;
	s28 =	simm.s32 $0x2  }
0x6: {  	s29 =	simm.s32 $0x3;
	s0 =	sand.u32 $0x1, s0;
	s1 =	smul.u32 $0xC800, s3  }
0x7: {  	s30 =	simm.s32 $0xD480;
	s31 =	simm.s32 $0xE100;
	s2 =	smul.u32 $0x6400, s0  }
0x8: {  	s14 =	simm.s32 $0x11300;
	s16 =	simm.s32 $0x11F80;
	s3 =	sshll.u32 s3, $0x1  }
0x9: {  	[smem:$0x7FF] =	sst s8;
	s3 =	sor.u32 s0, s3;
	s1 =	sadd.s32 s2, s1  }
0xa: {  	s0 =	ssub.s32 $0x2, s0;
	s23 =	smul.u32 $0x6400, s3;
	s24 =	sor.u32 $0x190, s1  }
0xb: {  	s5 =	sor.u32 $0x258, s1;
	s25 =	sor.u32 $0xC8, s1;
	s1 =	smulhi.u32 $0x51EB852, s1  }
0xc: {  	_ =	strace $0x8000004A;
	s9 =	sshrl.u32 s0, $0x1;
	s3 =	smulhi.u32 $0x51EB852, s24  }
0xd: {  	s0 =	ssub.s32 s0, s9;
	s2 =	sshrl.u32 s23, $0x3;
	s5 =	smulhi.u32 $0x51EB852, s5  }
0xe: {  	s0 =	smax.u32 s0, $0x1;
	s23 =	simm.s32 $0x8980;
	s26 =	smulhi.u32 $0x51EB852, s25  }
0xf: {  	s2 =	sadd.s32 s6, s2;
	[dreg:$0x4] =	wrdreg s0;
	s1 =	smul.u32 $0x380, s1  }
0x10: {  	s24 =	simm.s32 $0xA280;
	s25 =	simm.s32 $0xAF00;
	s7 =	smul.u32 $0x380, s3  }
.Ltmp0:
0x11: {  	s0 =	simm.s32 $0x10680;
	[dreg:$0x3] =	wrdreg s2;
	(pc) =	sbr.rel .LBB2_1-.Ltmp0, $4  }
0x12: {  	s2 =	simm.s32 $0x4;
	s5 =	smul.u32 $0x380, s5;
	s3 =	sadd.s32 $0xF43200, s4  }
0x13: {  	s4 =	sadd.s32 $0xE00, s4;
	s8 =	smul.u32 $0x380, s26;
	s26 =	simm.s32 $0xBB80  }
0x14: {  	s9 =	sadd.s32 s1, s4;
	s1 =	simm.s32 $0xED80;
	s6 =	sadd.s32 s7, s4  }
0x15: {  	s7 =	sadd.s32 s5, s4;
	s8 =	sadd.s32 s8, s4;
	s5 =	simm.s32 $0x0  }
.LBB2_4:
0x16: {  	s5 =	rddreg [dreg:$0x5]  }
0x17: {  	s4 =	rddreg [dreg:$0x4];
	s5 =	sadd.s32 $0x1, s5  }
0x18: {  	p0 =	sne.s32 s5, s4  }
.Ltmp1:
0x19: {  	_ = 	snop;
	(pc) =	sbr.rel @!p0 .LBB2_5-.Ltmp1, $1  }
0x1a: {  	_ =	sdelay $0x3  }
.LBB2_1:
0x1b: {  	[dreg:$0x5] =	wrdreg s5  }
0x1c: {  	s4 =	simm.s32 $0x0;
	s10 =	rddreg [dreg:$0x3];
	s12 =	simm.s32 $0x5  }
0x1d: {  	[tilespmem:s4], [sflag:$0x5] =	stream.linear.gather [hbm4b:s10+s4], $0x6400, $0x38;
	[tilespmem:$0x12C00] =	vst v63  }
0x1e: {  	_ =	swait.ge [sflag:s12], $0x6400  }
0x1f: {  	[sflag:s12] =	ssyncset.done $0x0  }
0x20: {  	s13 =	simm.s32 $0x6400;
	[sflag:s12] =	ssyncadd.s32 $0xFFFF9C00  }
0x21: {  	[tilespmem:s13], [sflag:$0x1] =	stream.indirect.gather [hbm4b:s3+s11], $0x40, s4, s11, $0xb8;
	[tilespmem:$0x12C00] =	vst v63  }
0x22: {  	s10 =	simm.s32 $0x9600  }
0x23: {  	[tilespmem:s10], [sflag:$0x1] =	stream.indirect.gather [hbm4b:s3+s11], $0x40, s11, s11, $0xb8;
	[tilespmem:$0x12C00] =	vst v63  }
0x24: {  	s12 =	simm.s32 $0x190  }
0x25: {  	[tilespmem:s15], [sflag:$0x3] =	stream.indirect.gather [hbm4b:s3+s11], $0x40, s12, s11, $0xb8;
	[tilespmem:$0x12C00] =	vst v63  }
0x26: {  	s5 =	simm.s32 $0x578;
	s13 =	simm.s32 $0x258;
	s10 =	simm.s32 $0x0  }
0x27: {  	[tilespmem:s17], [sflag:$0x3] =	stream.indirect.gather [hbm4b:s3+s11], $0x40, s13, s11, $0xb8;
	[tilespmem:$0x12C00] =	vst v63  }
.LBB2_2:
0x28: {  	_ =	swait.ge [sflag:s18], $0x3200  }
0x29: {  	[sflag:s18] =	ssyncset.done $0x0  }
0x2a: {  	[sflag:s18] =	ssyncadd.s32 $0xFFFFCE00  }
0x2b: {  	_ =	swait.ge [sflag:s18], $0x3200  }
0x2c: {  	[sflag:s18] =	ssyncset.done $0x0  }
0x2d: {  	s4 =	sadd.s32 s10, s9;
	s12 =	simm.s32 $0x6400;
	[sflag:s18] =	ssyncadd.s32 $0xFFFFCE00  }
0x2e: {  	[hbm4b:s4+s19] =	stream.strided.scatter [tilespmem:s12], [sflag:$0x2], $0xC80, s20, s19, $0x38;
	[tilespmem:$0x12C00] =	vst v63  }
0x2f: {  	s13 =	sadd.s32 $0x380, s4  }
0x30: {  	[hbm4b:s13+s19] =	stream.strided.scatter [tilespmem:s21], [sflag:$0x2], $0xC80, s20, s19, $0x38;
	[tilespmem:$0x12C00] =	vst v63  }
0x31: {  	s13 =	sadd.s32 $0x700, s4  }
0x32: {  	[hbm4b:s13+s19] =	stream.strided.scatter [tilespmem:s22], [sflag:$0x2], $0xC80, s20, s19, $0x38;
	[tilespmem:$0x12C00] =	vst v63  }
0x33: {  	s4 =	sadd.s32 $0xA80, s4  }
0x34: {  	[hbm4b:s4+s19] =	stream.strided.scatter [tilespmem:s23], [sflag:$0x2], $0xC80, s20, s19, $0x38;
	[tilespmem:$0x12C00] =	vst v63  }
0x35: {  	s13 =	simm.s32 $0x9600;
	s4 =	sadd.s32 s10, s8  }
0x36: {  	[hbm4b:s4+s19] =	stream.strided.scatter [tilespmem:s13], [sflag:$0x2], $0xC80, s20, s19, $0x38;
	[tilespmem:$0x12C00] =	vst v63  }
0x37: {  	s13 =	sadd.s32 $0x380, s4  }
0x38: {  	[hbm4b:s13+s19] =	stream.strided.scatter [tilespmem:s24], [sflag:$0x2], $0xC80, s20, s19, $0x38;
	[tilespmem:$0x12C00] =	vst v63  }
0x39: {  	s13 =	sadd.s32 $0x700, s4  }
0x3a: {  	[hbm4b:s13+s19] =	stream.strided.scatter [tilespmem:s25], [sflag:$0x2], $0xC80, s20, s19, $0x38;
	[tilespmem:$0x12C00] =	vst v63  }
0x3b: {  	s4 =	sadd.s32 $0xA80, s4  }
0x3c: {  	[hbm4b:s4+s19] =	stream.strided.scatter [tilespmem:s26], [sflag:$0x2], $0xC80, s20, s19, $0x38;
	[tilespmem:$0x12C00] =	vst v63  }
0x3d: {  	_ =	swait.ge [sflag:s28], $0xC80  }
0x3e: {  	[sflag:s28] =	ssyncset.done $0x0  }
0x3f: {  	[sflag:s28] =	ssyncadd.s32 $0xFFFFF380  }
0x40: {  	_ =	swait.ge [sflag:s28], $0xC80  }
0x41: {  	[sflag:s28] =	ssyncset.done $0x0  }
0x42: {  	[sflag:s28] =	ssyncadd.s32 $0xFFFFF380  }
0x43: {  	_ =	swait.ge [sflag:s28], $0xC80  }
0x44: {  	[sflag:s28] =	ssyncset.done $0x0  }
0x45: {  	[sflag:s28] =	ssyncadd.s32 $0xFFFFF380  }
0x46: {  	_ =	swait.ge [sflag:s28], $0xC80  }
0x47: {  	[sflag:s28] =	ssyncset.done $0x0  }
0x48: {  	[sflag:s28] =	ssyncadd.s32 $0xFFFFF380  }
0x49: {  	_ =	swait.ge [sflag:s28], $0xC80  }
0x4a: {  	[sflag:s28] =	ssyncset.done $0x0  }
0x4b: {  	[sflag:s28] =	ssyncadd.s32 $0xFFFFF380  }
0x4c: {  	_ =	swait.ge [sflag:s28], $0xC80  }
0x4d: {  	[sflag:s28] =	ssyncset.done $0x0  }
0x4e: {  	[sflag:s28] =	ssyncadd.s32 $0xFFFFF380  }
0x4f: {  	_ =	swait.ge [sflag:s28], $0xC80  }
0x50: {  	[sflag:s28] =	ssyncset.done $0x0  }
0x51: {  	[sflag:s28] =	ssyncadd.s32 $0xFFFFF380  }
0x52: {  	p0 =	seq.s32 s10, $0x6C800;
	_ =	swait.ge [sflag:s28], $0xC80  }
0x53: {  	s12 =	simm.s32 @!p0 $0xC8;
	[sflag:s28] =	ssyncset.done $0x0  }
0x54: {  	s13 =	simm.s32 @!p0 $0x6400;
	s4 =	sadd.s32 @!p0 $0xFFFFFDA8, s5;
	[sflag:s28] =	ssyncadd.s32 $0xFFFFF380  }
0x55: {  	[tilespmem:s13], [sflag:$0x1] =	stream.indirect.gather @!p0 [hbm4b:s3+s12], $0x40, s4, s12, $0xb8;
	[tilespmem:$0x12C00] =	vst v63  }
0x56: {  	s4 =	sadd.s32 @!p0 $0xFFFFFE70, s5;
	s13 =	simm.s32 @!p0 $0x9600  }
0x57: {  	[tilespmem:s13], [sflag:$0x1] =	stream.indirect.gather @!p0 [hbm4b:s3+s12], $0x40, s4, s12, $0xb8;
	[tilespmem:$0x12C00] =	vst v63  }
0x58: {  	_ =	swait.ge [sflag:s29], $0x3200  }
0x59: {  	[sflag:s29] =	ssyncset.done $0x0  }
0x5a: {  	[sflag:s29] =	ssyncadd.s32 $0xFFFFCE00  }
0x5b: {  	_ =	swait.ge [sflag:s29], $0x3200  }
0x5c: {  	[sflag:s29] =	ssyncset.done $0x0  }
0x5d: {  	s4 =	sadd.s32 s10, s6;
	[sflag:s29] =	ssyncadd.s32 $0xFFFFCE00  }
0x5e: {  	[hbm4b:s4+s19] =	stream.strided.scatter [tilespmem:s15], [sflag:$0x4], $0xC80, s20, s19, $0x38;
	[tilespmem:$0x12C00] =	vst v63  }
0x5f: {  	s13 =	sadd.s32 $0x380, s4  }
0x60: {  	[hbm4b:s13+s19] =	stream.strided.scatter [tilespmem:s30], [sflag:$0x4], $0xC80, s20, s19, $0x38;
	[tilespmem:$0x12C00] =	vst v63  }
0x61: {  	s13 =	sadd.s32 $0x700, s4  }
0x62: {  	[hbm4b:s13+s19] =	stream.strided.scatter [tilespmem:s31], [sflag:$0x4], $0xC80, s20, s19, $0x38;
	[tilespmem:$0x12C00] =	vst v63  }
0x63: {  	s4 =	sadd.s32 $0xA80, s4  }
0x64: {  	[hbm4b:s4+s19] =	stream.strided.scatter [tilespmem:s1], [sflag:$0x4], $0xC80, s20, s19, $0x38;
	[tilespmem:$0x12C00] =	vst v63  }
0x65: {  	s4 =	sadd.s32 s10, s7  }
0x66: {  	[hbm4b:s4+s19] =	stream.strided.scatter [tilespmem:s17], [sflag:$0x4], $0xC80, s20, s19, $0x38;
	[tilespmem:$0x12C00] =	vst v63  }
0x67: {  	s13 =	sadd.s32 $0x380, s4  }
0x68: {  	[hbm4b:s13+s19] =	stream.strided.scatter [tilespmem:s0], [sflag:$0x4], $0xC80, s20, s19, $0x38;
	[tilespmem:$0x12C00] =	vst v63  }
0x69: {  	s13 =	sadd.s32 $0x700, s4  }
0x6a: {  	[hbm4b:s13+s19] =	stream.strided.scatter [tilespmem:s14], [sflag:$0x4], $0xC80, s20, s19, $0x38;
	[tilespmem:$0x12C00] =	vst v63  }
0x6b: {  	s4 =	sadd.s32 $0xA80, s4  }
0x6c: {  	[hbm4b:s4+s19] =	stream.strided.scatter [tilespmem:s16], [sflag:$0x4], $0xC80, s20, s19, $0x38;
	[tilespmem:$0x12C00] =	vst v63  }
0x6d: {  	_ =	swait.ge [sflag:s2], $0xC80  }
0x6e: {  	[sflag:s2] =	ssyncset.done $0x0  }
0x6f: {  	[sflag:s2] =	ssyncadd.s32 $0xFFFFF380  }
0x70: {  	_ =	swait.ge [sflag:s2], $0xC80  }
0x71: {  	[sflag:s2] =	ssyncset.done $0x0  }
0x72: {  	[sflag:s2] =	ssyncadd.s32 $0xFFFFF380  }
0x73: {  	_ =	swait.ge [sflag:s2], $0xC80  }
0x74: {  	[sflag:s2] =	ssyncset.done $0x0  }
0x75: {  	[sflag:s2] =	ssyncadd.s32 $0xFFFFF380  }
0x76: {  	_ =	swait.ge [sflag:s2], $0xC80  }
0x77: {  	[sflag:s2] =	ssyncset.done $0x0  }
0x78: {  	[sflag:s2] =	ssyncadd.s32 $0xFFFFF380  }
0x79: {  	_ =	swait.ge [sflag:s2], $0xC80  }
0x7a: {  	[sflag:s2] =	ssyncset.done $0x0  }
0x7b: {  	[sflag:s2] =	ssyncadd.s32 $0xFFFFF380  }
0x7c: {  	_ =	swait.ge [sflag:s2], $0xC80  }
0x7d: {  	[sflag:s2] =	ssyncset.done $0x0  }
0x7e: {  	[sflag:s2] =	ssyncadd.s32 $0xFFFFF380  }
0x7f: {  	_ =	swait.ge [sflag:s2], $0xC80  }
.Ltmp2:
0x80: {  	[sflag:s2] =	ssyncset.done $0x0;
	(pc) =	sbr.rel @p0 .LBB2_4-.Ltmp2, $4  }
0x81: {  	[sflag:s2] =	ssyncadd.s32 $0xFFFFF380  }
0x82: {  	_ =	swait.ge [sflag:s2], $0xC80  }
0x83: {  	[sflag:s2] =	ssyncset.done $0x0  }
0x84: {  	[sflag:s2] =	ssyncadd.s32 $0xFFFFF380  }
.Ltmp3:
0x85: {  	s4 =	sadd.s32 $0xFFFFFF38, s5;
	(pc) =	sbr.rel .LBB2_2-.Ltmp3, $4  }
0x86: {  	[tilespmem:s15], [sflag:$0x3] =	stream.indirect.gather [hbm4b:s3+s11], $0x40, s4, s11, $0xb8;
	[tilespmem:$0x12C00] =	vst v63  }
0x87: {  	_ = 	snop  }
0x88: {  	[tilespmem:s17], [sflag:$0x3] =	stream.indirect.gather [hbm4b:s3+s11], $0x40, s5, s11, $0xb8;
	[tilespmem:$0x12C00] =	vst v63  }
0x89: {  	s10 =	sadd.s32 $0x3800, s10;
	s5 =	sadd.s32 $0x320, s5  }
.LBB2_5:
0x8a: {  	_ =	sfence.sel $0x180000  }
0x8b: {  	[bflag:$0x0] =	sbarrier.arrive $0xFFFF  }
0x8c: {  	_ =	strace $0x9000004A  }
0x8d: {  	s0 =	stileid.u32;
	[bflag:$0x2] =	sbarrier.arrive $0xFFFF  }
0x8e: {  	p0 =	sne.s32 s0, $0x0;
	s0 =	rddreg [dreg:$0x2]  }
0x8f: {  	s0 =	sadd.s32 @!p0 $0x100000, s0  }
0x90: {  	[sflag:s0] =	ssyncadd.tile.s32 @!p0 $0x1;
	_ =	shalt  }
.Lfunc_end2:
_tile_overlayer_lowered:
.L_overlay_start_2:
0x91: {  	(tag) =	ssettag $0x2  }
0x92: {  	s0 =	rddreg [dreg:$0x0];
	s2 =	stileid.u32  }
0x93: {  	s1 =	rddreg [dreg:$0x1];
	p0 =	sne.s32 s2, $0x0  }
0x94: {  	s3 =	rddreg [dreg:$0x2];
	[bflag:$0x3] =	sbarrier.arrive $0xFFFF;
	s2 =	simm.s32 @!p0 $0x1C05  }
0x95: {  	[timem:s3], [sflag:s2] =	dma.local @!p0 [hbm:s0], s1  }
0x96: {  	s0 =	simm.s32 @!p0 $0x5  }
0x97: {  	_ =	swait.ge @!p0 [sflag:s0], s1  }
0x98: {  	s1 =	ssub.s32 @!p0 $0x0, s1;
	[sflag:s0] =	ssyncset.done @!p0 $0x0  }
0x99: {  	[sflag:s0] =	ssyncadd.s32 @!p0 s1  }
0x9a: {  	[bflag:$0x3] =	sbarrier.arrive $0xFFFF  }
0x9b: {  	_ =	shalt  }

// kernel: sparse-core-data-format-call.1.cloned.1.call-start
scs
called_computation.1_lowered:
.L_overlay_start_0:
0x0: {  	s2 =	sld [smem:$0x3FD9]  }
0x1: {  	s3 =	sld [smem:$0x3FFE];
	_ =	sdelay $0x1  }
0x2: {  	s1 =	srdreg.scid  }
0x3: {  	s0 =	sand.u32 $0x1, s1  }
0x4: {  	s18 =	sshll.u32 s0, $0xA;
	s2 =	sadd.s32 s3, s2  }
0x5: {  	s2 =	sadd.s32 s2, s18  }
0x6: {  	[smem:$0x3FC6] =	sst s2  }
0x7: {  	_ = 	snop  }
0x8: {  	s2 =	sld [smem:$0x3FC8];
	(tm) =	ssettm $0x1  }
0x9: {  	s19 =	sld [smem:$0x3FFB];
	_ =	sdelay $0x3  }
0xa: {  	_ =	strace s19  }
0xb: {  	s3 =	sld [smem:$0x3FFC];
	_ =	sdelay $0x3  }
0xc: {  	_ =	strace s3  }
0xd: {  	s3 =	sld [smem:$0x3FFD];
	_ =	sdelay $0x3  }
0xe: {  	_ =	strace s3  }
0xf: {  	_ =	strace $0x8FFFFFFF  }
0x10: {  	s20 =	sld [smem:$0x3FDB];
	_ =	sdelay $0x1  }
0x11: {  	s4 =	simm.s32 $_scs_section_size  }
0x12: {  	s5 =	simm.s32 $_size__tile_overlayer_lowered;
	s6 =	simm.s32 $_tile_overlayer_lowered  }
0x13: {  	s23 =	simm.s32 $0x1BFF;
	s22 =	sshll.u32 s6, $0x1;
	s3 =	sadd.s32 s4, s20  }
0x14: {  	s7 =	simm.s32 $0x0;
	s21 =	sshll.u32 s5, $0x1;
	s5 =	sadd.s32 s22, s3  }
0x15: {  	[timem:s7], [sflag:s23] =	dma.local [hbm:s5], s21  }
0x16: {  	_ =	swait.ge [sflag:s23], s21  }
0x17: {  	s4 =	ssub.s32 $0x0, s21;
	[sflag:s23] =	ssyncset.done $0x0  }
0x18: {  	[sflag:s23] =	ssyncadd.s32 s4;
	_ =	sdelay $0x1  }
0x19: {  	s24 =	simm.s32 $0x1B8B  }
0x1a: {  	_ =	swait.ge [sflag:s24], $0x1  }
0x1b: {  	[sflag:s24] =	ssyncset.done $0x0  }
0x1c: {  	s26 =	simm.s32 $0x1B8E;
	s25 =	sld [smem:$0x3FFE];
	[sflag:s24] =	ssyncadd.s32 $0xFFFFFFFF  }
0x1d: {  	s27 =	simm.s32 $execute0_lowered;
	[smem:$0x3FD2] =	sst s26  }
0x1e: {  	s5 =	sshll.u32 s27, $0x1;
	_ =	strace $0x80000046;
	[dreg:$0x1] =	wrdreg $0xFFFFFFFF  }
0x1f: {  	s28 =	simm.s32 $_size_execute0_lowered;
	s3 =	sadd.s32 s3, s5;
	[dreg:$0x0] =	wrdreg $0x0  }
0x20: {  	s5 =	sshll.u32 s28, $0x1;
	[dreg:$0x2] =	wrdreg s3  }
0x21: {  	[dreg:$0x3] =	wrdreg s5  }
0x22: {  	[dreg:$0x4] =	wrdreg $0xC0  }
0x23: {  	_ =	task [dreg:s7], $0x5FFFF  }
0x24: {  	[dreg:$0x1] =	wrdreg $0xFFFFFFFF  }
0x25: {  	[dreg:$0x0] =	wrdreg $0x60  }
0x26: {  	[dreg:$0x2] =	wrdreg s2  }
0x27: {  	[dreg:$0x3] =	wrdreg s25  }
0x28: {  	[dreg:$0x4] =	wrdreg $0x9  }
0x29: {  	_ =	task.clear_ibuf [dreg:s7], $0x5FFFF;
	_ =	strace $0x90000046  }
0x2a: {  	s29 =	simm.s32 $0x9;
	_ =	strace $0x80000048  }
0x2b: {  	_ =	swait.ge [sflag:s29], $0x1  }
0x2c: {  	[sflag:s29] =	ssyncadd.s32 $0xFFFFFFFF  }
0x2d: {  	_ =	strace $0x90000048  }
0x2e: {  	_ =	sfence  }
0x2f: {  	s30 =	sld [smem:$0x0];
	_ =	sdelay $0x2  }
0x30: {  	s31 =	sshll.u32 s1, $0xD;
	s1 =	sshrl.u32 s1, $0x2  }
0x31: {  	s3 =	sand.u32 $0x4000, s31;
	s1 =	sadd.s32 s1, s30  }
0x32: {  	s0 =	sor.u32 s3, s0;
	s1 =	sshll.u32 s1, $0x11  }
0x33: {  	s0 =	sor.u32 s1, s0  }
0x34: {  	s0 =	sadd.s32 $0x8F2B, s0  }
0x35: {  	[sflag:s0] =	ssyncadd.remote.s32 $0x1  }
0x36: {  	_ =	sfence.sel $0xFFFF  }
0x37: {  	[dreg:$0x0] =	wrdreg $0xFFFFFFFF;
	(pc) =	sbr.abs _section_cstart, $3  }
0x38: {  	[dreg:$0x1] =	wrdreg $0xFFFFFFFF  }
0x39: {  	_ =	task.clear_ibuf [dreg:s7], $0x2FFFF;
	_ =	strace $0x9FFFFFFF  }
0x3a: {  	(tm) =	ssettm $0x7FFFFFFF  }
0x3b: {  	_ =	shalt  }
tec
execute0_lowered:
.L_overlay_start_1:
0x0: {  	(tag) =	ssettag $0x1  }
0x1: {  	s0 =	srdreg.scid;
	s2 =	rddreg [dreg:$0x0]  }
0x2: {  	s5 =	rddreg [dreg:$0x1];
	s1 =	stileid.u32  }
0x3: {  	s4 =	simm.s32 $0x1;
	s6 =	simm.s32 $0x2;
	s15 =	simm.s32 $0x0  }
0x4: {  	p0 =	por $0x0, $0x0;
	s8 =	simm.s32 $0x80;
	s0 =	sshll.u32 s0, $0x4  }
0x5: {  	s14 =	simm.s32 $0x0;
	s9 =	simm.s32 $0x0;
	s3 =	sand.u32 $0x10, s0  }
.Ltmp0:
0x6: {  	s10 =	simm.s32 $0x0;
	s3 =	sor.u32 s1, s3;
	(pc) =	sbr.rel .LBB1_1-.Ltmp0, $4  }
0x7: {  	s0 =	rddreg [dreg:$0x2];
	_ =	strace $0x80000047;
	s3 =	sshll.u32 s3, $0x7  }
0x8: {  	s12 =	simm.s32 $0x0;
	[sflag:s4] =	ssyncpa.u1 $0x0;
	s7 =	ssub.s32 $0xF4200, s3  }
0x9: {  	s13 =	simm.s32 $0x0;
	[sflag:s6] =	ssyncpa.u1 $0x0;
	s6 =	sshrl.u32 s7, $0xC  }
0xa: {  	s5 =	sadd.s32 $0xE00, s5;
	s11 =	smov.u32 s3;
	s7 =	sadd.s32 $0x2, s6  }
.LBB1_5:
0xb: {  	p1 =	slt.u32 s13, $0x2  }
0xc: {  	s17 =	smov.u32 s15;
	p2 =	sgt.s32 @!p1 s15, $0xF41C0;
	s16 =	sshra.s32 @!p1 s15, $0x1F  }
0xd: {  	p3 =	sgt.s32 @!p1 s14, $0x40;
	s18 =	sshra.s32 @!p1 s14, $0x1F;
	p2 =	por !p2, p1  }
0xe: {  	s15 =	sand.u32 @!p1 s16, s15;
	p3 =	por !p3, p1;
	s16 =	smov.u32 s14  }
0xf: {  	s14 =	sand.u32 @!p1 s18, s14;
	s17 =	simm.s32 @p2 $0xF41C0;
	s16 =	simm.s32 @p3 $0x40  }
0x10: {  	s15 =	ssub.s32 @!p1 s17, s15;
	s14 =	ssub.s32 @!p1 s16, s14  }
0x11: {  	s18 =	smov.u32 s12;
	s16 =	sadd.s32 @!p1 $0xFFF0BE40, s15;
	s17 =	sadd.s32 @!p1 $0xFFFFFFC0, s14  }
0x12: {  	s15 =	ssub.s32 @!p1 $0xF4240, s15;
	p2 =	sgt.s32 @!p1 s16, $0x7F;
	p3 =	sgt.s32 @!p1 s17, $0x3F  }
0x13: {  	s14 =	ssub.s32 @!p1 $0x80, s14;
	p2 =	por !p2, p1;
	p3 =	por !p3, p1  }
0x14: {  	s16 =	sadd.s32 $0x1000, s11;
	s15 =	simm.s32 @!p2 $0x0;
	s14 =	simm.s32 @!p3 $0x0  }
0x15: {  	p2 =	sgt.s32 s16, $0xF423F;
	s14 =	smul.u32 @!p1 s14, s15;
	s15 =	sadd.s32 $0x40, s12  }
0x16: {  	s18 =	smov.u32 @p2 s15  }
0x17: {  	s16 =	smov.u32 @p2 s3;
	p2 =	sgt.s32 s18, $0x3F  }
0x18: {  	s18 =	simm.s32 @p2 $0x0;
	p2 =	sne.s32 s13, s7  }
.Ltmp1:
0x19: {  	p0 =	por !p0, !p0;
	s17 =	simm.s32 @!p1 $0x2;
	(pc) =	sbr.rel @!p2 .LBB1_6-.Ltmp1, $4  }
0x1a: {  	s15 =	smov.u32 s9;
	s9 =	smov.u32 s11;
	s14 =	sand.u32 @!p1 $0x3FFFFFFF, s14  }
0x1b: {  	s11 =	smov.u32 s16;
	_ =	swait.ge @!p1 [sflag:s17], s14;
	s19 =	ssub.s32 @!p1 $0x0, s14  }
0x1c: {  	s14 =	smov.u32 s10;
	s13 =	sadd.s32 $0x1, s13;
	[sflag:s17] =	ssyncset.done @!p1 $0x0  }
0x1d: {  	s10 =	smov.u32 s12;
	s12 =	smov.u32 s18;
	[sflag:s17] =	ssyncadd.s32 @!p1 s19  }
.LBB1_1:
0x1e: {  	p1 =	sgt.u32 s13, s6  }
0x1f: {  	s16 =	sshrl.u32 @!p1 s12, $0x3  }
0x20: {  	s17 =	sshll.u32 @!p1 s11, $0x3;
	s16 =	smul.u32 @!p1 $0x7A1400, s16  }
0x21: {  	s18 =	sshll.u32 @!p1 s12, $0x7;
	s17 =	sand.u32 @!p1 $0xFFFFFC00, s17  }
0x22: {  	s16 =	sadd.s32 @!p1 s16, s17;
	s17 =	sand.u32 @!p1 $0x380, s18  }
0x23: {  	s18 =	sand.u32 @!p1 $0x7F, s11;
	s16 =	sor.u32 @!p1 s17, s16  }
0x24: {  	s17 =	sor.u32 @!p1 s18, s16  }
0x25: {  	s18 =	smulhi.u32 @!p1 $0x218D6287, s17;
	_ =	sdelay $0x1  }
0x26: {  	s16 =	smulhi.u32 @!p1 $0x218D6287, s16;
	s18 =	sshrl.u32 @!p1 s18, $0x11  }
0x27: {  	s18 =	smul.u32 @!p1 $0xF4280, s18  }
0x28: {  	s19 =	sxor.u32 @!p1 $0xFFFFFFFF, s13;
	s16 =	sshrl.u32 @!p1 s16, $0x11  }
0x29: {  	s19 =	sshll.u32 @!p1 s19, $0xD;
	s16 =	sand.u32 @!p1 $0x3F, s16;
	s17 =	ssub.s32 @!p1 s17, s18  }
0x2a: {  	s16 =	smul.u32 @!p1 $0x1E850, s16;
	s18 =	sshrl.u32 @!p1 s17, $0x3;
	s17 =	sand.u32 @!p1 $0x7, s17  }
0x2b: {  	s19 =	sand.u32 @!p1 $0x2000, s19;
	s18 =	sadd.s32 @!p1 s2, s18;
	s17 =	sshll.u32 @!p1 s17, $0x12  }
0x2c: {  	s16 =	sadd.s32 @!p1 s16, s18;
	s17 =	sor.u32 @!p1 $0x400, s17;
	s18 =	simm.s32 @!p1 $0x7A1400  }
0x2d: {  	[tilespmem:s19], [sflag:$0x1] =	stream.strided.gather @!p1 [hbm4b:s16+s17], $0x2000, s18, s17, $0x38;
	[tilespmem:$0x8100] =	vst v63  }
0x2e: {  	p1 =	seq.s32 s13, $0x0  }
0x2f: {  	p2 =	sge.u32 @!p1 s13, s7  }
0x30: {  	p1 =	por p1, p2  }
.Ltmp2:
0x31: {  	_ = 	snop;
	(pc) =	sbr.rel @p1 .LBB1_5-.Ltmp2, $1  }
0x32: {  	_ =	sdelay $0x3  }
0x33: {  	s16 =	simm.s32 $0x1  }
0x34: {  	_ =	swait.ge [sflag:s4], $0x2000;
	s16 =	simm.s32 @!p0 $0x0  }
0x35: {  	[sflag:s4] =	ssyncset.done $0x0;
	s17 =	sshll.u32 s16, $0xD  }
0x36: {  	[sflag:s4] =	ssyncadd.s32 $0xFFFFE000;
	s17 =	sor.u32 $0x40, s17  }
0x37: {  	s16 =	smul.u32 $0x8200, s16;
	v0 =	vld [tilespmem:s17+$0x30]  }
0x38: {  	v1 =	vld [tilespmem:s17+$0xFFFFFFD0]  }
0x39: {  	s16 =	sshrl.u32 s16, $0x2;
	v5 =	vld [tilespmem:s17+$0xFFFFFFE0]  }
0x3a: {  	v6 =	vld [tilespmem:s17+$0xFFFFFFF0];
	s19 =	sor.u32 $0x4000, s16  }
0x3b: {  	s31 =	sand.u32 $0x1, s13;
	v4 =	vld [tilespmem:s17+$0x0];
	s18 =	sadd.s32 $0x0, s19  }
0x3c: {  	v3 =	vld [tilespmem:s17+$0x10];
	s16 =	smul.u32 $0x8200, s31;
	[tilespmem:s18+$0x1C70 ss:$0x41] =	vst.msk $0xffff, v0  }
0x3d: {  	v2 =	vld [tilespmem:s17+$0x20];
	[tilespmem:s18+$0x410 ss:$0x41] =	vst.msk $0xffff, v1  }
0x3e: {  	s16 =	sshrl.u32 s16, $0x2;
	v1 =	vld [tilespmem:s17+$0xFFFFFFC0];
	[tilespmem:s18+$0x820 ss:$0x41] =	vst.msk $0xffff, v5;
	s17 =	sadd.s32 $0x80, s17  }
0x3f: {  	s20 =	simm.s32 $0x4;
	s21 =	simm.s32 $0x8;
	s16 =	sor.u32 $0x4000, s16;
	[tilespmem:s18+$0xC30 ss:$0x41] =	vst.msk $0xffff, v6;
	v0 =	vld [tilespmem:s17+$0x30]  }
.LBB1_3:
0x40: {  	p1 =	sne.s32 s21, $0xFC;
	v5 =	vld [tilespmem:s17+$0xFFFFFFD0];
	[tilespmem:s18+$0x1040 ss:$0x41] =	vst.msk $0xffff, v4  }
0x41: {  	v6 =	vld [tilespmem:s17+$0xFFFFFFE0];
	[tilespmem:s18+$0x1450 ss:$0x41] =	vst.msk $0xffff, v3  }
0x42: {  	s22 =	sshra.s32 s20, $0x2;
	s20 =	smov.u32 s21;
	v7 =	vld [tilespmem:s17+$0xFFFFFFF0];
	[tilespmem:s18+$0x1860 ss:$0x41] =	vst.msk $0xffff, v2  }
.Ltmp3:
0x43: {  	v4 =	vld [tilespmem:s17+$0x0];
	[tilespmem:s18+$0x0 ss:$0x41] =	vst.msk $0xffff, v1;
	s18 =	sadd.s32 s22, s19;
	(pc) =	sbr.rel @p1 .LBB1_3-.Ltmp3, $4  }
0x44: {  	v3 =	vld [tilespmem:s17+$0x10];
	[tilespmem:s18+$0x1C70 ss:$0x41] =	vst.msk $0xffff, v0  }
0x45: {  	[tilespmem:s18+$0x410 ss:$0x41] =	vst.msk $0xffff, v5;
	v2 =	vld [tilespmem:s17+$0x20]  }
0x46: {  	v1 =	vld [tilespmem:s17+$0xFFFFFFC0];
	[tilespmem:s18+$0x820 ss:$0x41] =	vst.msk $0xffff, v6;
	s17 =	sadd.s32 $0x80, s17  }
0x47: {  	s21 =	sadd.s32 $0x4, s21;
	v0 =	vld [tilespmem:s17+$0x30];
	[tilespmem:s18+$0xC30 ss:$0x41] =	vst.msk $0xffff, v7  }
0x48: {  	s21 =	sshll.u32 s9, $0x7;
	s22 =	sshll.u32 s10, $0x3;
	s20 =	sshra.s32 s20, $0x2  }
0x49: {  	p1 =	sgt.s32 s9, $0xF41C0;
	s30 =	sshra.s32 s9, $0x1F;
	s25 =	sshra.s32 s10, $0x1F  }
0x4a: {  	v5 =	vld [tilespmem:s17+$0xFFFFFFD0];
	s28 =	sshrl.u32 s10, $0x3;
	s23 =	sand.u32 $0xFFFFFC00, s21;
	s22 =	sand.u32 $0xFFFFFC00, s22  }
0x4b: {  	[tilespmem:s18+$0x1040 ss:$0x41] =	vst.msk $0xffff, v4;
	v58 =	vld [tilespmem:s17+$0xFFFFFFE0];
	s21 =	sand.u32 $0x380, s21;
	s19 =	sadd.s32 s20, s19;
	s22 =	sadd.s32 s22, s23  }
0x4c: {  	v59 =	vld [tilespmem:s17+$0xFFFFFFF0];
	[tilespmem:s18+$0x1450 ss:$0x41] =	vst.msk $0xffff, v3;
	s29 =	sor.u32 s21, s22;
	s21 =	smov.u32 s9;
	s22 =	sand.u32 s30, s9  }
0x4d: {  	v60 =	vld [tilespmem:s17+$0x0];
	[tilespmem:s18+$0x1860 ss:$0x41] =	vst.msk $0xffff, v2;
	s30 =	sand.u32 $0x7, s10;
	s20 =	sshrl.u32 s29, $0x7;
	s21 =	simm.s32 @!p1 $0xF41C0  }
0x4e: {  	v61 =	vld [tilespmem:s17+$0x10];
	[tilespmem:s18+$0x0 ss:$0x41] =	vst.msk $0xffff, v1;
	p1 =	sgt.s32 s10, $0x40;
	s24 =	ssub.s32 s21, s22;
	s21 =	smov.u32 s10  }
0x4f: {  	v62 =	vld [tilespmem:s17+$0x20];
	[tilespmem:s19+$0x1C70 ss:$0x41] =	vst.msk $0xffff, v0;
	s31 =	smulhi.u32 $0x218DEF5, s20;
	s22 =	sand.u32 s25, s10;
	s21 =	simm.s32 @!p1 $0x40  }
0x50: {  	v63 =	vld [tilespmem:s17+$0xFFFFFFC0];
	[tilespmem:s19+$0x410 ss:$0x41] =	vst.msk $0xffff, v5;
	s26 =	sadd.s32 $0xFFF0BE40, s24;
	s17 =	ssub.s32 $0xF4240, s24;
	s21 =	ssub.s32 s21, s22  }
0x51: {  	[tilespmem:s19+$0x820 ss:$0x41] =	vst.msk $0xffff, v58;
	s23 =	sshrl.u32 s31, $0xD;
	p1 =	sgt.s32 s26, $0x7F;
	s27 =	sadd.s32 $0xFFFFFFC0, s21  }
0x52: {  	[tilespmem:s19+$0xC30 ss:$0x41] =	vst.msk $0xffff, v59;
	s23 =	smul.u32 $0xF4240, s23;
	s18 =	ssub.s32 $0x80, s21;
	p2 =	sgt.s32 s27, $0x3F  }
.Ltmp4:
0x53: {  	[tilespmem:s19+$0x1040 ss:$0x41] =	vst.msk $0xffff, v60;
	s17 =	simm.s32 @p1 $0x0;
	s18 =	simm.s32 @p2 $0x0;
	(pc) =	sbr.rel .LBB1_5-.Ltmp4, $4  }
0x54: {  	s29 =	sand.u32 $0xF, s28;
	[tilespmem:s19+$0x1450 ss:$0x41] =	vst.msk $0xffff, v61;
	s20 =	ssub.s32 s20, s23;
	s17 =	smul.u32 s18, s17  }
0x55: {  	[tilespmem:s19+$0x1860 ss:$0x41] =	vst.msk $0xffff, v62;
	s21 =	sshll.u32 s30, $0x12;
	s20 =	sshll.u32 s20, $0x4;
	s18 =	sadd.s32 s5, s29  }
0x56: {  	[tilespmem:s19+$0x0 ss:$0x41] =	vst.msk $0xffff, v63;
	s31 =	sor.u32 $0x40, s21;
	s18 =	sadd.s32 s20, s18;
	s17 =	sand.u32 $0x3FFFFFFF, s17  }
0x57: {  	[hbm4b:s18+s31] =	stream.strided.scatter [tilespmem:s16], [sflag:$0x2], s17, s8, s31, $0x18;
	[tilespmem:$0x8100] =	vst v63  }
.LBB1_6:
0x58: {  	_ =	sfence.sel $0x180000  }
0x59: {  	s2 =	simm.s32 $0x1;
	[bflag:$0x0] =	sbarrier.arrive $0xFFFF  }
0x5a: {  	s31 =	simm.s32 $0x2;
	[sflag:s2] =	ssyncpa.u1 $0x1  }
0x5b: {  	[sflag:s31] =	ssyncpa.u1 $0x1  }
0x5c: {  	p0 =	sne.s32 s1, $0x0;
	_ =	strace $0x90000047  }
0x5d: {  	s0 =	sadd.s32 @!p0 $0x100000, s0;
	[bflag:$0x2] =	sbarrier.arrive $0xFFFF  }
0x5e: {  	[sflag:s0] =	ssyncadd.tile.s32 @!p0 $0x1;
	_ =	shalt  }
.Lfunc_end1:
_tile_overlayer_lowered:
.L_overlay_start_2:
0x5f: {  	(tag) =	ssettag $0x2  }
0x60: {  	s0 =	rddreg [dreg:$0x0];
	s2 =	stileid.u32  }
0x61: {  	s1 =	rddreg [dreg:$0x1];
	p0 =	sne.s32 s2, $0x0  }
0x62: {  	s3 =	rddreg [dreg:$0x2];
	[bflag:$0x3] =	sbarrier.arrive $0xFFFF;
	s2 =	simm.s32 @!p0 $0x1C01  }
0x63: {  	[timem:s3], [sflag:s2] =	dma.local @!p0 [hbm:s0], s1  }
0x64: {  	s0 =	simm.s32 @!p0 $0x1  }
0x65: {  	_ =	swait.ge @!p0 [sflag:s0], s1  }
0x66: {  	s1 =	ssub.s32 @!p0 $0x0, s1;
	[sflag:s0] =	ssyncset.done @!p0 $0x0  }
0x67: {  	[sflag:s0] =	ssyncadd.s32 @!p0 s1  }
0x68: {  	[bflag:$0x3] =	sbarrier.arrive $0xFFFF  }
0x69: {  	_ =	shalt  }

// kernel: sparse-core-data-format-call.cloned.1.call-start
scs
called_computation_lowered:
.L_overlay_start_0:
0x0: {  	s2 =	sld [smem:$0x3FD9]  }
0x1: {  	s3 =	sld [smem:$0x3FFE];
	_ =	sdelay $0x1  }
0x2: {  	s1 =	srdreg.scid  }
0x3: {  	s0 =	sand.u32 $0x1, s1  }
0x4: {  	s18 =	sshll.u32 s0, $0xA;
	s2 =	sadd.s32 s3, s2  }
0x5: {  	s2 =	sadd.s32 s2, s18  }
0x6: {  	[smem:$0x3FC6] =	sst s2  }
0x7: {  	_ = 	snop  }
0x8: {  	s2 =	sld [smem:$0x3FD0];
	(tm) =	ssettm $0x1  }
0x9: {  	s19 =	sld [smem:$0x3FFB];
	_ =	sdelay $0x3  }
0xa: {  	_ =	strace s19  }
0xb: {  	s3 =	sld [smem:$0x3FFC];
	_ =	sdelay $0x3  }
0xc: {  	_ =	strace s3  }
0xd: {  	s3 =	sld [smem:$0x3FFD];
	_ =	sdelay $0x3  }
0xe: {  	_ =	strace s3  }
0xf: {  	_ =	strace $0x8FFFFFFF  }
0x10: {  	s20 =	sld [smem:$0x3FDB];
	_ =	sdelay $0x1  }
0x11: {  	s4 =	simm.s32 $_scs_section_size  }
0x12: {  	s5 =	simm.s32 $_size__tile_overlayer_lowered;
	s6 =	simm.s32 $_tile_overlayer_lowered  }
0x13: {  	s23 =	simm.s32 $0x1BFF;
	s22 =	sshll.u32 s6, $0x1;
	s3 =	sadd.s32 s4, s20  }
0x14: {  	s7 =	simm.s32 $0x0;
	s21 =	sshll.u32 s5, $0x1;
	s5 =	sadd.s32 s22, s3  }
0x15: {  	[timem:s7], [sflag:s23] =	dma.local [hbm:s5], s21  }
0x16: {  	_ =	swait.ge [sflag:s23], s21  }
0x17: {  	s4 =	ssub.s32 $0x0, s21;
	[sflag:s23] =	ssyncset.done $0x0  }
0x18: {  	[sflag:s23] =	ssyncadd.s32 s4;
	_ =	sdelay $0x1  }
0x19: {  	s24 =	simm.s32 $0x1B8B  }
0x1a: {  	_ =	swait.ge [sflag:s24], $0x1  }
0x1b: {  	[sflag:s24] =	ssyncset.done $0x0  }
0x1c: {  	s26 =	simm.s32 $0x1B8E;
	s25 =	sld [smem:$0x3FFE];
	[sflag:s24] =	ssyncadd.s32 $0xFFFFFFFF  }
0x1d: {  	s27 =	simm.s32 $execute0_lowered;
	[smem:$0x3FD2] =	sst s26  }
0x1e: {  	s5 =	sshll.u32 s27, $0x1;
	_ =	strace $0x8000004C;
	[dreg:$0x1] =	wrdreg $0xFFFFFFFF  }
0x1f: {  	s28 =	simm.s32 $_size_execute0_lowered;
	s3 =	sadd.s32 s3, s5;
	[dreg:$0x0] =	wrdreg $0x0  }
0x20: {  	s5 =	sshll.u32 s28, $0x1;
	[dreg:$0x2] =	wrdreg s3  }
0x21: {  	[dreg:$0x3] =	wrdreg s5  }
0x22: {  	[dreg:$0x4] =	wrdreg $0xC0  }
0x23: {  	_ =	task [dreg:s7], $0x5FFFF  }
0x24: {  	[dreg:$0x1] =	wrdreg $0xFFFFFFFF  }
0x25: {  	[dreg:$0x0] =	wrdreg $0x60  }
0x26: {  	[dreg:$0x2] =	wrdreg s25  }
0x27: {  	[dreg:$0x3] =	wrdreg s2  }
0x28: {  	[dreg:$0x4] =	wrdreg $0x9  }
0x29: {  	_ =	task.clear_ibuf [dreg:s7], $0x5FFFF;
	_ =	strace $0x9000004C  }
0x2a: {  	s29 =	simm.s32 $0x9;
	_ =	strace $0x8000004E  }
0x2b: {  	_ =	swait.ge [sflag:s29], $0x1  }
0x2c: {  	[sflag:s29] =	ssyncadd.s32 $0xFFFFFFFF  }
0x2d: {  	_ =	strace $0x9000004E  }
0x2e: {  	_ =	sfence  }
0x2f: {  	s30 =	sld [smem:$0x0];
	_ =	sdelay $0x2  }
0x30: {  	s31 =	sshll.u32 s1, $0xD;
	s1 =	sshrl.u32 s1, $0x2  }
0x31: {  	s3 =	sand.u32 $0x4000, s31;
	s1 =	sadd.s32 s1, s30  }
0x32: {  	s0 =	sor.u32 s3, s0;
	s1 =	sshll.u32 s1, $0x11  }
0x33: {  	s0 =	sor.u32 s1, s0  }
0x34: {  	s0 =	sadd.s32 $0x8F2B, s0  }
0x35: {  	[sflag:s0] =	ssyncadd.remote.s32 $0x1  }
0x36: {  	_ =	sfence.sel $0xFFFF  }
0x37: {  	[dreg:$0x0] =	wrdreg $0xFFFFFFFF;
	(pc) =	sbr.abs _section_cstart, $3  }
0x38: {  	[dreg:$0x1] =	wrdreg $0xFFFFFFFF  }
0x39: {  	_ =	task.clear_ibuf [dreg:s7], $0x2FFFF;
	_ =	strace $0x9FFFFFFF  }
0x3a: {  	(tm) =	ssettm $0x7FFFFFFF  }
0x3b: {  	_ =	shalt  }
tec
execute0_lowered:
.L_overlay_start_1:
0x0: {  	(tag) =	ssettag $0x1  }
0x1: {  	s0 =	srdreg.scid  }
0x2: {  	s1 =	sshll.u32 s0, $0x4  }
0x3: {  	s0 =	stileid.u32;
	s1 =	sand.u32 $0x10, s1  }
0x4: {  	s1 =	sor.u32 s0, s1  }
0x5: {  	s6 =	rddreg [dreg:$0x0];
	s4 =	simm.s32 $0x1;
	s2 =	sshll.u32 s1, $0x7  }
0x6: {  	s7 =	simm.s32 $0x2;
	s12 =	simm.s32 $0x0;
	s1 =	ssub.s32 $0x4000, s2  }
0x7: {  	s8 =	simm.s32 $0x20000;
	s13 =	simm.s32 $0x0;
	s3 =	sand.u32 $0xF80, s1  }
0x8: {  	s9 =	simm.s32 $0x0;
	s5 =	sshrl.u32 s1, $0xC;
	p0 =	sne.s32 s3, $0x0  }
.Ltmp0:
0x9: {  	s1 =	rddreg [dreg:$0x2];
	s4 =	simm.s32 @!p0 $0x0;
	(pc) =	sbr.rel .LBB1_1-.Ltmp0, $4  }
0xa: {  	s11 =	simm.s32 $0x0;
	s3 =	rddreg [dreg:$0x1];
	s5 =	sadd.s32 s4, s5  }
0xb: {  	_ =	strace $0x8000004D;
	s4 =	simm.s32 $0x1;
	s5 =	smul.u32 $0x32, s5  }
0xc: {  	s6 =	sadd.s32 $0xE00, s6;
	s10 =	smov.u32 s2;
	[sflag:s4] =	ssyncpa.u1 $0x0  }
0xd: {  	p0 =	por $0x0, $0x0;
	[sflag:s7] =	ssyncpa.u1 $0x0;
	s7 =	sor.u32 $0x1, s5  }
.LBB1_4:
0xe: {  	s16 =	sshll.u32 s13, $0x3;
	s17 =	sand.u32 $0x78, s13  }
0xf: {  	s30 =	sand.u32 $0x1F800, s13;
	s12 =	sshll.u32 s12, $0x11;
	s16 =	sand.u32 $0x3C00, s16  }
0x10: {  	[tilespmem:s15+$0x810 ss:$0x81] =	vst.msk $0xffff, v2;
	s31 =	sand.u32 $0x7, s13;
	s16 =	sor.u32 s17, s16;
	s17 =	sadd.s32 s3, s30  }
0x11: {  	[tilespmem:s15+$0x1020 ss:$0x81] =	vst.msk $0xffff, v0;
	s13 =	sshll.u32 s31, $0x12;
	s12 =	sadd.s32 s12, s17;
	s16 =	sshrl.u32 s16, $0x3  }
0x12: {  	[tilespmem:s15+$0x0 ss:$0x81] =	vst.msk $0xffff, v1;
	s13 =	sor.u32 $0x400, s13;
	s12 =	sadd.s32 s16, s12  }
0x13: {  	[hbm4b:s12+s13] =	stream.strided.scatter [tilespmem:s14], [sflag:$0x2], $0x2000, s8, s13, $0x20;
	[tilespmem:$0x8080] =	vst v63  }
.LBB1_5:
0x14: {  	s14 =	sadd.s32 $0x1, s9  }
0x15: {  	s12 =	sadd.s32 $0x1000, s10;
	s16 =	smov.u32 s10;
	p2 =	sgt.s32 s14, $0x31  }
0x16: {  	s16 =	smov.u32 @p2 s12  }
0x17: {  	s14 =	simm.s32 @p2 $0x0;
	p2 =	sgt.s32 s16, $0x3FFF  }
0x18: {  	s16 =	smov.u32 @p2 s2;
	p2 =	sne.s32 s11, s7  }
.Ltmp1:
0x19: {  	p1 =	slt.u32 s11, $0x2;
	(pc) =	sbr.rel @!p2 .LBB1_6-.Ltmp1, $4  }
0x1a: {  	s15 =	simm.s32 @!p1 $0x2  }
0x1b: {  	s13 =	smov.u32 s10;
	p0 =	por !p0, !p0;
	_ =	swait.ge @!p1 [sflag:s15], $0x2000  }
0x1c: {  	s12 =	smov.u32 s9;
	[sflag:s15] =	ssyncset.done @!p1 $0x0;
	s9 =	smov.u32 s14  }
0x1d: {  	s11 =	sadd.s32 $0x1, s11;
	[sflag:s15] =	ssyncadd.s32 @!p1 $0xFFFFE000;
	s10 =	smov.u32 s16  }
.LBB1_1:
0x1e: {  	p1 =	sge.u32 s11, s5  }
0x1f: {  	s14 =	sand.u32 @!p1 $0x1FFFFFF, s9  }
0x20: {  	s15 =	smulhi.u32 @!p1 $0x4924925, s14;
	_ =	sdelay $0x1  }
0x21: {  	s15 =	smul.u32 @!p1 $0x38, s15  }
0x22: {  	s16 =	sxor.u32 @!p1 $0xFFFFFFFF, s11;
	s17 =	smul.u32 @!p1 $0x380, s10  }
0x23: {  	s31 =	sadd.s32 $0xFFFFFFFF, s11;
	s16 =	sshll.u32 @!p1 s16, $0xD;
	s14 =	ssub.s32 @!p1 s14, s15  }
0x24: {  	s15 =	sand.u32 @!p1 $0x2000, s16;
	s16 =	sadd.s32 @!p1 s6, s17;
	s14 =	sshll.u32 @!p1 s14, $0x4  }
0x25: {  	s17 =	simm.s32 @!p1 $0x1C00;
	s14 =	sadd.s32 @!p1 s14, s16;
	s16 =	simm.s32 @!p1 $0x40  }
0x26: {  	[tilespmem:s15], [sflag:$0x1] =	stream.strided.gather @!p1 [hbm4b:s14+s16], $0x2000, s17, s16, $0x38;
	[tilespmem:$0x8080] =	vst v63  }
0x27: {  	p1 =	sge.u32 s31, s5  }
.Ltmp2:
0x28: {  	_ = 	snop;
	(pc) =	sbr.rel @p1 .LBB1_5-.Ltmp2, $1  }
0x29: {  	_ =	sdelay $0x3  }
0x2a: {  	s14 =	simm.s32 $0x1  }
0x2b: {  	_ =	swait.ge [sflag:s4], $0x2000;
	s14 =	simm.s32 @!p0 $0x0  }
0x2c: {  	[sflag:s4] =	ssyncset.done $0x0;
	s15 =	sshll.u32 s14, $0xD  }
0x2d: {  	[sflag:s4] =	ssyncadd.s32 $0xFFFFE000;
	s18 =	sor.u32 $0x20, s15  }
0x2e: {  	s14 =	smul.u32 $0x8100, s14;
	v3 =	vld [tilespmem:s18+$0x10]  }
0x2f: {  	s30 =	sand.u32 $0x1, s11;
	v2 =	vld [tilespmem:s18+$0xFFFFFFF0]  }
0x30: {  	s15 =	smul.u32 $0x8100, s30;
	s14 =	sshrl.u32 s14, $0x2;
	v0 =	vld [tilespmem:s18+$0x0]  }
0x31: {  	v1 =	vld [tilespmem:s18+$0xFFFFFFE0];
	s16 =	sor.u32 $0x4000, s14  }
0x32: {  	s31 =	sshrl.u32 s15, $0x2;
	s15 =	sadd.s32 $0x0, s16  }
0x33: {  	s17 =	simm.s32 $0x4;
	s18 =	sadd.s32 $0x40, s18;
	s14 =	sor.u32 $0x4000, s31;
	[tilespmem:s15+$0x1830 ss:$0x81] =	vst.msk $0xffff, v3  }
.LBB1_3:
0x34: {  	v3 =	vld [tilespmem:s18+$0x10];
	p1 =	sne.s32 s17, $0x1FC;
	[tilespmem:s15+$0x810 ss:$0x81] =	vst.msk $0xffff, v2;
	s19 =	smov.u32 s17;
	s17 =	sadd.s32 $0x4, s17  }
.Ltmp3:
0x35: {  	v2 =	vld [tilespmem:s18+$0xFFFFFFF0];
	[tilespmem:s15+$0x1020 ss:$0x81] =	vst.msk $0xffff, v0;
	(pc) =	sbr.rel @p1 .LBB1_3-.Ltmp3, $4  }
0x36: {  	v0 =	vld [tilespmem:s18+$0x0];
	[tilespmem:s15+$0x0 ss:$0x81] =	vst.msk $0xffff, v1  }
0x37: {  	s15 =	sshra.s32 s19, $0x2;
	v1 =	vld [tilespmem:s18+$0xFFFFFFE0]  }
0x38: {  	s15 =	sadd.s32 s15, s16  }
0x39: {  	s18 =	sadd.s32 $0x40, s18;
	[tilespmem:s15+$0x1830 ss:$0x81] =	vst.msk $0xffff, v3  }
.Ltmp4:
0x3a: {  	_ = 	snop;
	(pc) =	sbr.rel .LBB1_4-.Ltmp4, $1  }
0x3b: {  	_ =	sdelay $0x3  }
.LBB1_6:
0x3c: {  	_ =	sfence.sel $0x180000  }
0x3d: {  	s2 =	simm.s32 $0x1;
	[bflag:$0x0] =	sbarrier.arrive $0xFFFF  }
0x3e: {  	s31 =	simm.s32 $0x2;
	[sflag:s2] =	ssyncpa.u1 $0x1  }
0x3f: {  	[sflag:s31] =	ssyncpa.u1 $0x1  }
0x40: {  	p0 =	sne.s32 s0, $0x0;
	_ =	strace $0x9000004D  }
0x41: {  	s0 =	sadd.s32 @!p0 $0x100000, s1;
	[bflag:$0x2] =	sbarrier.arrive $0xFFFF  }
0x42: {  	[sflag:s0] =	ssyncadd.tile.s32 @!p0 $0x1;
	_ =	shalt  }
.Lfunc_end1:
_tile_overlayer_lowered:
.L_overlay_start_2:
0x43: {  	(tag) =	ssettag $0x2  }
0x44: {  	s0 =	rddreg [dreg:$0x0];
	s2 =	stileid.u32  }
0x45: {  	s1 =	rddreg [dreg:$0x1];
	p0 =	sne.s32 s2, $0x0  }
0x46: {  	s3 =	rddreg [dreg:$0x2];
	[bflag:$0x3] =	sbarrier.arrive $0xFFFF;
	s2 =	simm.s32 @!p0 $0x1C01  }
0x47: {  	[timem:s3], [sflag:s2] =	dma.local @!p0 [hbm:s0], s1  }
0x48: {  	s0 =	simm.s32 @!p0 $0x1  }
0x49: {  	_ =	swait.ge @!p0 [sflag:s0], s1  }
0x4a: {  	s1 =	ssub.s32 @!p0 $0x0, s1;
	[sflag:s0] =	ssyncset.done @!p0 $0x0  }
0x4b: {  	[sflag:s0] =	ssyncadd.s32 @!p0 s1  }
0x4c: {  	[bflag:$0x3] =	sbarrier.arrive $0xFFFF  }
0x4d: {  	_ =	shalt  }

</sc_bundles>
